<compile_context>
chip_gen: v7x
topology: tpu7x:2x2x1
jax: 0.10.2.dev20260603
libtpu: 0.0.44.dev20260713+nightly
codegen_flags: <defaults>
</compile_context>

<pallas_src>
import functools

import jax
import jax.numpy as jnp
from jax import lax
from jax.experimental import pallas as pl
from jax.experimental.pallas import tpu as pltpu
from jax.experimental.pallas import tpu_sc as plsc

VOCAB = 1000000
SEQ_LEN = 200
EMBED_DIM = 64
IMG_FEAT = 2048
OUT_DIM = 1000

_NC = 2
_NS = 16
_NW = _NC * _NS

_ROW_BLK = 200
_GRID = OUT_DIM // _ROW_BLK


_ROWS_PER_W = 8
_ACTIVE_W = SEQ_LEN // _ROWS_PER_W


_LANE = 128
_STAGE_W = _ROWS_PER_W * _LANE


def _sc_gather_sum_body(idx_hbm, tablet_hbm, out_hbm, idx_v, cols_v, acc_v,
                        sem):
    wid = lax.axis_index("s") * _NC + lax.axis_index("c")

    @pl.when(wid < _ACTIVE_W)
    def _():
        base = wid * _ROWS_PER_W
        pltpu.sync_copy(idx_hbm.at[pl.ds(base, _ROWS_PER_W)],
                        idx_v.at[pl.ds(0, _ROWS_PER_W)])
        iv = idx_v[...]
        copies = []
        for k in range(_ROWS_PER_W):
            off = pl.multiple_of((iv[k] // _LANE) * _LANE, _LANE)
            copies.append(
                pltpu.async_copy(tablet_hbm.at[:, pl.ds(off, _LANE)],
                                 cols_v.at[:, pl.ds(k * _LANE, _LANE)],
                                 sem.at[k]))
        rows16 = lax.iota(jnp.int32, 16)
        accs = [jnp.zeros((16,), jnp.float32)
                for _ in range(EMBED_DIM // 16)]
        for k in range(_ROWS_PER_W):
            copies[k].wait()
            col = jnp.full((16,), k * _LANE, jnp.int32) + (iv[k] % _LANE)
            for d in range(EMBED_DIM // 16):
                accs[d] = accs[d] + plsc.load_gather(
                    cols_v, [rows16 + d * 16, col])
        for d in range(EMBED_DIM // 16):
            acc_v[pl.ds(d * 16, 16)] = accs[d]
        pltpu.sync_copy(acc_v, out_hbm.at[wid])

    @pl.when(wid >= _ACTIVE_W)
    def _():
        for d in range(EMBED_DIM // 16):
            acc_v[pl.ds(d * 16, 16)] = jnp.zeros((16,), jnp.float32)
        pltpu.sync_copy(acc_v, out_hbm.at[wid])


@functools.cache
def _sc_gather_sum():
    return pl.kernel(
        _sc_gather_sum_body,
        out_type=jax.ShapeDtypeStruct((_NW, EMBED_DIM), jnp.float32),
        mesh=plsc.VectorSubcoreMesh(core_axis_name="c", subcore_axis_name="s"),
        scratch_types=[
            pltpu.VMEM((16,), jnp.int32),
            pltpu.VMEM((EMBED_DIM, _STAGE_W), jnp.float32),
            pltpu.VMEM((EMBED_DIM,), jnp.float32),
            pltpu.SemaphoreType.DMA((_ROWS_PER_W,)),
        ],
        compiler_params=pltpu.CompilerParams(needs_layout_passes=False),
    )


def _tc_matvec_body(img_hbm, w_ref, out_ref, buf, sems):
    def start(j):
        return pltpu.make_async_copy(
            img_hbm.at[pl.ds(j * _ROW_BLK, _ROW_BLK), 0, :],
            buf.at[j], sems.at[j])

    for j in range(_GRID):
        start(j).start()
    wi = w_ref[:, EMBED_DIM:]
    for j in range(_GRID):
        start(j).wait()
        blk = lax.dot_general(
            wi, buf[j],
            (((1,), (1,)), ((), ())),
            preferred_element_type=jnp.float32,
        )
        out_ref[:, j * _ROW_BLK:(j + 1) * _ROW_BLK] = blk


_tc_matvec = pl.pallas_call(
    _tc_matvec_body,
    in_specs=[
        pl.BlockSpec(memory_space=pltpu.MemorySpace.HBM),
        pl.BlockSpec((1, EMBED_DIM + IMG_FEAT), lambda: (0, 0)),
    ],
    out_specs=pl.BlockSpec((1, OUT_DIM), lambda: (0, 0)),
    out_shape=jax.ShapeDtypeStruct((1, OUT_DIM), jnp.float32),
    scratch_shapes=[
        pltpu.VMEM((_GRID, _ROW_BLK, IMG_FEAT), jnp.float32),
        pltpu.SemaphoreType.DMA((_GRID,)),
    ],
)


def _tc_combine_body(score_ref, w_ref, part_ref, b_ref, out_ref):
    se = jnp.sum(part_ref[...], axis=0, keepdims=True)
    t = jnp.sum(se * w_ref[:, :EMBED_DIM]) + b_ref[0, 0]
    s = score_ref[...] + t
    m = jnp.max(s)
    e = jnp.exp(s - m)
    out_ref[...] = e / jnp.sum(e)


_tc_combine = pl.pallas_call(
    _tc_combine_body,
    in_specs=[
        pl.BlockSpec((1, OUT_DIM), lambda: (0, 0)),
        pl.BlockSpec((1, EMBED_DIM + IMG_FEAT), lambda: (0, 0)),
        pl.BlockSpec((_NW, EMBED_DIM), lambda: (0, 0)),
        pl.BlockSpec((1, 1), lambda: (0, 0)),
    ],
    out_specs=pl.BlockSpec((1, OUT_DIM), lambda: (0, 0)),
    out_shape=jax.ShapeDtypeStruct((1, OUT_DIM), jnp.float32),
)


def kernel(text_input, image_input, emb_table, W, b):
    idx = text_input.reshape(SEQ_LEN).astype(jnp.int32)
    partials = _sc_gather_sum()(idx, emb_table.T)
    scores = _tc_matvec(image_input, W)
    return _tc_combine(scores, W, partials, b.reshape(1, 1))

# --- scband reference (transcript-rebuilt; emitter-appended) ---
"""Pipeline reference for scband-naive-cbow-40269613367766 (READ-ONLY COPY).

The authoritative reference and input builder live on the scoring server;
editing this copy changes nothing except your own understanding.
"""

import jax, jax.numpy as jnp
import numpy as np

VOCAB = 1000000
EMBED_DIM = 64
IMG_FEAT = 2048
OUT_DIM = 1000
SEQ_LEN = 200


def setup_inputs(seed: int = 0) -> dict:
    key = jax.random.key(seed)
    k1, k2, k3, k4 = jax.random.split(key, 4)
    text_input = jax.random.randint(k1, (1, SEQ_LEN), 0, VOCAB)
    image_input = jax.random.normal(k2, (OUT_DIM, 1, IMG_FEAT), dtype=jnp.float32)
    emb_table = jax.random.normal(k3, (VOCAB, EMBED_DIM), dtype=jnp.float32) * 0.02
    W = jax.random.normal(k4, (1, EMBED_DIM + IMG_FEAT), dtype=jnp.float32) * 0.02
    b = jnp.zeros((1,), dtype=jnp.float32)
    return {"text_input": text_input, "image_input": image_input, "emb_table": emb_table, "W": W, "b": b}


def reference(text_input, image_input, emb_table, W, b):
    # embeds = self.embeddings(text_input)  -> gather
    embeds = jnp.take(emb_table, text_input, axis=0)          # [1, L, D]
    # sum over the sequence dimension
    sum_embeds = jnp.sum(embeds, axis=1)                      # [1, D]
    # sum_embeds.repeat(output_dim, 1)
    sum_embeds_block = jnp.tile(sum_embeds, (OUT_DIM, 1))     # [OUT, D]
    # torch.stack(image_input).squeeze()
    image_block = jnp.squeeze(image_input)                    # [OUT, IMG]
    block = jnp.concatenate([sum_embeds_block, image_block], axis=1)  # [OUT, D+IMG]
    score = block @ W.T + b                                   # [OUT, 1]
    output = jax.nn.softmax(score.reshape(1, -1), axis=1)     # [1, OUT]
    return output

if __name__ == "__main__":
    import jax
    _d = setup_inputs()
    print(jax.jit(kernel)(*tuple(_d.values())))

</pallas_src>

<mosaic_0001>
#map = affine_map<(d0, d1) -> (0)>
#map1 = affine_map<(d0, d1) -> (0, 0)>
module attributes {stable_mosaic.version = 14 : i64} {
  func.func @_sc_gather_sum_body(%arg0: i32, %arg1: i32, %arg2: memref<200xi32, #tpu.memory_space<hbm>>, %arg3: memref<64x1000000xf32, #tpu.memory_space<hbm>>, %arg4: memref<32x64xf32, #tpu.memory_space<hbm>>, %arg5: memref<16xi32, #tpu.memory_space<vmem>>, %arg6: memref<64x1024xf32, #tpu.memory_space<vmem>>, %arg7: memref<64xf32, #tpu.memory_space<vmem>>, %arg8: memref<8x!tpu.dma_semaphore, #tpu.memory_space<semaphore_mem>>) attributes {dimension_semantics = [#tpu.dimension_semantics<core_parallel>, #tpu.dimension_semantics<subcore_parallel>], iteration_bounds = array<i64: 2, 16>, scalar_prefetch = 0 : i64, scratch_operands = 4 : i64, tpu.core_type = #tpu.core_type<sc_vector_subcore>, window_params = [{transform_indices = #map}, {transform_indices = #map1}, {transform_indices = #map1}]} {
    %mul3A = arith.constant 2 : i32
    %mul3A_0 = arith.muli %arg1, %mul3A : i32
    %add3A = arith.addi %mul3A_0, %arg0 : i32
    %lt3A = arith.constant 25 : i32
    %lt3A_1 = arith.cmpi slt, %add3A, %lt3A : i32
    %convert_element_type3A = arith.extui %lt3A_1 : i1 to i32
    %cond3A = arith.constant 0 : i32
    %cond3A_2 = arith.cmpi ne, %convert_element_type3A, %cond3A : i32
    scf.if %cond3A_2 {
      %mul3A_7 = arith.constant 8 : i32
      %mul3A_8 = arith.muli %add3A, %mul3A_7 : i32
      "tpu.region"() ({
        %run_scoped3A = tpu.sem_alloc : memref<!tpu.dma_semaphore, #tpu.memory_space<semaphore_mem>>
        %dma_start3A_785 = arith.constant 0 : i32
        %dma_start3A_786 = tpu.memref_slice %arg5[%dma_start3A_785] : memref<16xi32, #tpu.memory_space<vmem>> -> memref<8xi32, #tpu.memory_space<vmem>>
        %dma_start3A_787 = tpu.memref_slice %arg2[%mul3A_8] : memref<200xi32, #tpu.memory_space<hbm>> -> memref<8xi32, #tpu.memory_space<hbm>>
        %dma_start3A_788 = arith.constant 0 : i32
        %dma_start3A_789 = tpu.memref_slice %arg5[%dma_start3A_788] : memref<16xi32, #tpu.memory_space<vmem>> -> memref<8xi32, #tpu.memory_space<vmem>>
        %dma_start3A_790 = tpu.memref_slice %arg2[%mul3A_8] : memref<200xi32, #tpu.memory_space<hbm>> -> memref<8xi32, #tpu.memory_space<hbm>>
        tpu.enqueue_dma source(%dma_start3A_790 : memref<8xi32, #tpu.memory_space<hbm>>) target(%dma_start3A_789 : memref<8xi32, #tpu.memory_space<vmem>>) target_semaphore(%run_scoped3A : memref<!tpu.dma_semaphore, #tpu.memory_space<semaphore_mem>>)
        %dma_wait3A_791 = arith.constant 0 : i32
        %dma_wait3A_792 = tpu.memref_slice %arg5[%dma_wait3A_791] : memref<16xi32, #tpu.memory_space<vmem>> -> memref<8xi32, #tpu.memory_space<vmem>>
        %dma_wait3A_793 = tpu.memref_slice %arg2[%mul3A_8] : memref<200xi32, #tpu.memory_space<hbm>> -> memref<8xi32, #tpu.memory_space<hbm>>
        %dma_wait3A_794 = arith.constant 0 : i32
        %dma_wait3A_795 = tpu.memref_slice %arg5[%dma_wait3A_794] : memref<16xi32, #tpu.memory_space<vmem>> -> memref<8xi32, #tpu.memory_space<vmem>>
        %dma_wait3A_796 = tpu.memref_slice %arg2[%mul3A_8] : memref<200xi32, #tpu.memory_space<hbm>> -> memref<8xi32, #tpu.memory_space<hbm>>
        tpu.wait_dma2 semaphore(%run_scoped3A : memref<!tpu.dma_semaphore, #tpu.memory_space<semaphore_mem>>) src(%dma_wait3A_796 : memref<8xi32, #tpu.memory_space<hbm>>) dst(%dma_wait3A_795 : memref<8xi32, #tpu.memory_space<vmem>>)
        tpu.yield
      }) : () -> ()
      %get3A = arith.constant 0 : index
      %get3A_9 = tpu.vector_load %arg5[%get3A] {strides = array<i32>} : memref<16xi32, #tpu.memory_space<vmem>>, vector<16xi32>,
      %slice3A = vector.extract_strided_slice %get3A_9 {offsets = [0], sizes = [1], strides = [1]} : vector<16xi32> to vector<1xi32>
      %squeeze3A = vector.extract %slice3A[0] : i32 from vector<1xi32>
      %jit3A = arith.constant 128 : i32
      %div3A = arith.divsi %squeeze3A, %jit3A : i32
      %sign3A = arith.constant 0 : i32
      %sign3A_10 = arith.cmpi sgt, %squeeze3A, %sign3A : i32
      %sign3A_11 = arith.extui %sign3A_10 : i1 to i32
      %sign3A_12 = arith.constant 0 : i32
      %sign3A_13 = arith.cmpi slt, %squeeze3A, %sign3A_12 : i32
      %sign3A_14 = arith.extui %sign3A_13 : i1 to i32
      %sign3A_15 = arith.subi %sign3A_11, %sign3A_14 : i32
      %sign3A_16 = arith.constant 0 : i32
      %sign3A_17 = arith.cmpi sgt, %jit3A, %sign3A_16 : i32
      %sign3A_18 = arith.extui %sign3A_17 : i1 to i32
      %sign3A_19 = arith.constant 0 : i32
      %sign3A_20 = arith.cmpi slt, %jit3A, %sign3A_19 : i32
      %sign3A_21 = arith.extui %sign3A_20 : i1 to i32
      %sign3A_22 = arith.subi %sign3A_18, %sign3A_21 : i32
      %ne3A = arith.cmpi ne, %sign3A_15, %sign3A_22 : i32
      %rem3A = arith.remsi %squeeze3A, %jit3A : i32
      %ne3A_23 = arith.constant 0 : i32
      %ne3A_24 = arith.cmpi ne, %rem3A, %ne3A_23 : i32
      %and3A = arith.andi %ne3A, %ne3A_24 : i1
      %sub3A = arith.constant 1 : i32
      %sub3A_25 = arith.subi %div3A, %sub3A : i32
      %select_n3A = arith.select %and3A, %sub3A_25, %div3A : i32
      %mul3A_26 = arith.constant 128 : i32
      %mul3A_27 = arith.muli %select_n3A, %mul3A_26 : i32
      %multiple_of3A = tpu.assume_multiple %mul3A_27, 128 : i32
      %dma_start3A = arith.constant 0 : i32
      %dma_start3A_28 = arith.constant 0 : i32
      %dma_start3A_29 = arith.constant 0 : i32
      %dma_start3A_30 = tpu.memref_slice %arg6[%dma_start3A_28, %dma_start3A_29] : memref<64x1024xf32, #tpu.memory_space<vmem>> -> memref<64x128xf32, #tpu.memory_space<vmem>>
      %dma_start3A_31 = arith.constant 0 : i32
      %dma_start3A_32 = tpu.memref_slice %arg3[%dma_start3A_31, %multiple_of3A] : memref<64x1000000xf32, #tpu.memory_space<hbm>> -> memref<64x128xf32, #tpu.memory_space<hbm>>
      %dma_start3A_33 = tpu.memref_slice %arg8[%dma_start3A] : memref<8x!tpu.dma_semaphore, #tpu.memory_space<semaphore_mem>> -> memref<1x!tpu.dma_semaphore, #tpu.memory_space<semaphore_mem>>
      %dma_start3A_34 = tpu.memref_squeeze %dma_start3A_33 : memref<1x!tpu.dma_semaphore, #tpu.memory_space<semaphore_mem>> -> memref<!tpu.dma_semaphore, #tpu.memory_space<semaphore_mem>>
      %dma_start3A_35 = arith.constant 0 : i32
      %dma_start3A_36 = arith.constant 0 : i32
      %dma_start3A_37 = tpu.memref_slice %arg6[%dma_start3A_35, %dma_start3A_36] : memref<64x1024xf32, #tpu.memory_space<vmem>> -> memref<64x128xf32, #tpu.memory_space<vmem>>
      %dma_start3A_38 = arith.constant 0 : i32
      %dma_start3A_39 = tpu.memref_slice %arg3[%dma_start3A_38, %multiple_of3A] : memref<64x1000000xf32, #tpu.memory_space<hbm>> -> memref<64x128xf32, #tpu.memory_space<hbm>>
      tpu.enqueue_dma source(%dma_start3A_39 : memref<64x128xf32, #tpu.memory_space<hbm>>) target(%dma_start3A_37 : memref<64x128xf32, #tpu.memory_space<vmem>>) target_semaphore(%dma_start3A_34 : memref<!tpu.dma_semaphore, #tpu.memory_space<semaphore_mem>>)
      %slice3A_40 = vector.extract_strided_slice %get3A_9 {offsets = [1], sizes = [1], strides = [1]} : vector<16xi32> to vector<1xi32>
      %squeeze3A_41 = vector.extract %slice3A_40[0] : i32 from vector<1xi32>
      %jit3A_42 = arith.constant 128 : i32
      %div3A_43 = arith.divsi %squeeze3A_41, %jit3A_42 : i32
      %sign3A_44 = arith.constant 0 : i32
      %sign3A_45 = arith.cmpi sgt, %squeeze3A_41, %sign3A_44 : i32
      %sign3A_46 = arith.extui %sign3A_45 : i1 to i32
      %sign3A_47 = arith.constant 0 : i32
      %sign3A_48 = arith.cmpi slt, %squeeze3A_41, %sign3A_47 : i32
      %sign3A_49 = arith.extui %sign3A_48 : i1 to i32
      %sign3A_50 = arith.subi %sign3A_46, %sign3A_49 : i32
      %sign3A_51 = arith.constant 0 : i32
      %sign3A_52 = arith.cmpi sgt, %jit3A_42, %sign3A_51 : i32
      %sign3A_53 = arith.extui %sign3A_52 : i1 to i32
      %sign3A_54 = arith.constant 0 : i32
      %sign3A_55 = arith.cmpi slt, %jit3A_42, %sign3A_54 : i32
      %sign3A_56 = arith.extui %sign3A_55 : i1 to i32
      %sign3A_57 = arith.subi %sign3A_53, %sign3A_56 : i32
      %ne3A_58 = arith.cmpi ne, %sign3A_50, %sign3A_57 : i32
      %rem3A_59 = arith.remsi %squeeze3A_41, %jit3A_42 : i32
      %ne3A_60 = arith.constant 0 : i32
      %ne3A_61 = arith.cmpi ne, %rem3A_59, %ne3A_60 : i32
      %and3A_62 = arith.andi %ne3A_58, %ne3A_61 : i1
      %sub3A_63 = arith.constant 1 : i32
      %sub3A_64 = arith.subi %div3A_43, %sub3A_63 : i32
      %select_n3A_65 = arith.select %and3A_62, %sub3A_64, %div3A_43 : i32
      %mul3A_66 = arith.constant 128 : i32
      %mul3A_67 = arith.muli %select_n3A_65, %mul3A_66 : i32
      %multiple_of3A_68 = tpu.assume_multiple %mul3A_67, 128 : i32
      %dma_start3A_69 = arith.constant 1 : i32
      %dma_start3A_70 = arith.constant 0 : i32
      %dma_start3A_71 = arith.constant 128 : i32
      %dma_start3A_72 = tpu.memref_slice %arg6[%dma_start3A_70, %dma_start3A_71] : memref<64x1024xf32, #tpu.memory_space<vmem>> -> memref<64x128xf32, #tpu.memory_space<vmem>>
      %dma_start3A_73 = arith.constant 0 : i32
      %dma_start3A_74 = tpu.memref_slice %arg3[%dma_start3A_73, %multiple_of3A_68] : memref<64x1000000xf32, #tpu.memory_space<hbm>> -> memref<64x128xf32, #tpu.memory_space<hbm>>
      %dma_start3A_75 = tpu.memref_slice %arg8[%dma_start3A_69] : memref<8x!tpu.dma_semaphore, #tpu.memory_space<semaphore_mem>> -> memref<1x!tpu.dma_semaphore, #tpu.memory_space<semaphore_mem>>
      %dma_start3A_76 = tpu.memref_squeeze %dma_start3A_75 : memref<1x!tpu.dma_semaphore, #tpu.memory_space<semaphore_mem>> -> memref<!tpu.dma_semaphore, #tpu.memory_space<semaphore_mem>>
      %dma_start3A_77 = arith.constant 0 : i32
      %dma_start3A_78 = arith.constant 128 : i32
      %dma_start3A_79 = tpu.memref_slice %arg6[%dma_start3A_77, %dma_start3A_78] : memref<64x1024xf32, #tpu.memory_space<vmem>> -> memref<64x128xf32, #tpu.memory_space<vmem>>
      %dma_start3A_80 = arith.constant 0 : i32
      %dma_start3A_81 = tpu.memref_slice %arg3[%dma_start3A_80, %multiple_of3A_68] : memref<64x1000000xf32, #tpu.memory_space<hbm>> -> memref<64x128xf32, #tpu.memory_space<hbm>>
      tpu.enqueue_dma source(%dma_start3A_81 : memref<64x128xf32, #tpu.memory_space<hbm>>) target(%dma_start3A_79 : memref<64x128xf32, #tpu.memory_space<vmem>>) target_semaphore(%dma_start3A_76 : memref<!tpu.dma_semaphore, #tpu.memory_space<semaphore_mem>>)
      %slice3A_82 = vector.extract_strided_slice %get3A_9 {offsets = [2], sizes = [1], strides = [1]} : vector<16xi32> to vector<1xi32>
      %squeeze3A_83 = vector.extract %slice3A_82[0] : i32 from vector<1xi32>
      %jit3A_84 = arith.constant 128 : i32
      %div3A_85 = arith.divsi %squeeze3A_83, %jit3A_84 : i32
      %sign3A_86 = arith.constant 0 : i32
      %sign3A_87 = arith.cmpi sgt, %squeeze3A_83, %sign3A_86 : i32
      %sign3A_88 = arith.extui %sign3A_87 : i1 to i32
      %sign3A_89 = arith.constant 0 : i32
      %sign3A_90 = arith.cmpi slt, %squeeze3A_83, %sign3A_89 : i32
      %sign3A_91 = arith.extui %sign3A_90 : i1 to i32
      %sign3A_92 = arith.subi %sign3A_88, %sign3A_91 : i32
      %sign3A_93 = arith.constant 0 : i32
      %sign3A_94 = arith.cmpi sgt, %jit3A_84, %sign3A_93 : i32
      %sign3A_95 = arith.extui %sign3A_94 : i1 to i32
      %sign3A_96 = arith.constant 0 : i32
      %sign3A_97 = arith.cmpi slt, %jit3A_84, %sign3A_96 : i32
      %sign3A_98 = arith.extui %sign3A_97 : i1 to i32
      %sign3A_99 = arith.subi %sign3A_95, %sign3A_98 : i32
      %ne3A_100 = arith.cmpi ne, %sign3A_92, %sign3A_99 : i32
      %rem3A_101 = arith.remsi %squeeze3A_83, %jit3A_84 : i32
      %ne3A_102 = arith.constant 0 : i32
      %ne3A_103 = arith.cmpi ne, %rem3A_101, %ne3A_102 : i32
      %and3A_104 = arith.andi %ne3A_100, %ne3A_103 : i1
      %sub3A_105 = arith.constant 1 : i32
      %sub3A_106 = arith.subi %div3A_85, %sub3A_105 : i32
      %select_n3A_107 = arith.select %and3A_104, %sub3A_106, %div3A_85 : i32
      %mul3A_108 = arith.constant 128 : i32
      %mul3A_109 = arith.muli %select_n3A_107, %mul3A_108 : i32
      %multiple_of3A_110 = tpu.assume_multiple %mul3A_109, 128 : i32
      %dma_start3A_111 = arith.constant 2 : i32
      %dma_start3A_112 = arith.constant 0 : i32
      %dma_start3A_113 = arith.constant 256 : i32
      %dma_start3A_114 = tpu.memref_slice %arg6[%dma_start3A_112, %dma_start3A_113] : memref<64x1024xf32, #tpu.memory_space<vmem>> -> memref<64x128xf32, #tpu.memory_space<vmem>>
      %dma_start3A_115 = arith.constant 0 : i32
      %dma_start3A_116 = tpu.memref_slice %arg3[%dma_start3A_115, %multiple_of3A_110] : memref<64x1000000xf32, #tpu.memory_space<hbm>> -> memref<64x128xf32, #tpu.memory_space<hbm>>
      %dma_start3A_117 = tpu.memref_slice %arg8[%dma_start3A_111] : memref<8x!tpu.dma_semaphore, #tpu.memory_space<semaphore_mem>> -> memref<1x!tpu.dma_semaphore, #tpu.memory_space<semaphore_mem>>
      %dma_start3A_118 = tpu.memref_squeeze %dma_start3A_117 : memref<1x!tpu.dma_semaphore, #tpu.memory_space<semaphore_mem>> -> memref<!tpu.dma_semaphore, #tpu.memory_space<semaphore_mem>>
      %dma_start3A_119 = arith.constant 0 : i32
      %dma_start3A_120 = arith.constant 256 : i32
      %dma_start3A_121 = tpu.memref_slice %arg6[%dma_start3A_119, %dma_start3A_120] : memref<64x1024xf32, #tpu.memory_space<vmem>> -> memref<64x128xf32, #tpu.memory_space<vmem>>
      %dma_start3A_122 = arith.constant 0 : i32
      %dma_start3A_123 = tpu.memref_slice %arg3[%dma_start3A_122, %multiple_of3A_110] : memref<64x1000000xf32, #tpu.memory_space<hbm>> -> memref<64x128xf32, #tpu.memory_space<hbm>>
      tpu.enqueue_dma source(%dma_start3A_123 : memref<64x128xf32, #tpu.memory_space<hbm>>) target(%dma_start3A_121 : memref<64x128xf32, #tpu.memory_space<vmem>>) target_semaphore(%dma_start3A_118 : memref<!tpu.dma_semaphore, #tpu.memory_space<semaphore_mem>>)
      %slice3A_124 = vector.extract_strided_slice %get3A_9 {offsets = [3], sizes = [1], strides = [1]} : vector<16xi32> to vector<1xi32>
      %squeeze3A_125 = vector.extract %slice3A_124[0] : i32 from vector<1xi32>
      %jit3A_126 = arith.constant 128 : i32
      %div3A_127 = arith.divsi %squeeze3A_125, %jit3A_126 : i32
      %sign3A_128 = arith.constant 0 : i32
      %sign3A_129 = arith.cmpi sgt, %squeeze3A_125, %sign3A_128 : i32
      %sign3A_130 = arith.extui %sign3A_129 : i1 to i32
      %sign3A_131 = arith.constant 0 : i32
      %sign3A_132 = arith.cmpi slt, %squeeze3A_125, %sign3A_131 : i32
      %sign3A_133 = arith.extui %sign3A_132 : i1 to i32
      %sign3A_134 = arith.subi %sign3A_130, %sign3A_133 : i32
      %sign3A_135 = arith.constant 0 : i32
      %sign3A_136 = arith.cmpi sgt, %jit3A_126, %sign3A_135 : i32
      %sign3A_137 = arith.extui %sign3A_136 : i1 to i32
      %sign3A_138 = arith.constant 0 : i32
      %sign3A_139 = arith.cmpi slt, %jit3A_126, %sign3A_138 : i32
      %sign3A_140 = arith.extui %sign3A_139 : i1 to i32
      %sign3A_141 = arith.subi %sign3A_137, %sign3A_140 : i32
      %ne3A_142 = arith.cmpi ne, %sign3A_134, %sign3A_141 : i32
      %rem3A_143 = arith.remsi %squeeze3A_125, %jit3A_126 : i32
      %ne3A_144 = arith.constant 0 : i32
      %ne3A_145 = arith.cmpi ne, %rem3A_143, %ne3A_144 : i32
      %and3A_146 = arith.andi %ne3A_142, %ne3A_145 : i1
      %sub3A_147 = arith.constant 1 : i32
      %sub3A_148 = arith.subi %div3A_127, %sub3A_147 : i32
      %select_n3A_149 = arith.select %and3A_146, %sub3A_148, %div3A_127 : i32
      %mul3A_150 = arith.constant 128 : i32
      %mul3A_151 = arith.muli %select_n3A_149, %mul3A_150 : i32
      %multiple_of3A_152 = tpu.assume_multiple %mul3A_151, 128 : i32
      %dma_start3A_153 = arith.constant 3 : i32
      %dma_start3A_154 = arith.constant 0 : i32
      %dma_start3A_155 = arith.constant 384 : i32
      %dma_start3A_156 = tpu.memref_slice %arg6[%dma_start3A_154, %dma_start3A_155] : memref<64x1024xf32, #tpu.memory_space<vmem>> -> memref<64x128xf32, #tpu.memory_space<vmem>>
      %dma_start3A_157 = arith.constant 0 : i32
      %dma_start3A_158 = tpu.memref_slice %arg3[%dma_start3A_157, %multiple_of3A_152] : memref<64x1000000xf32, #tpu.memory_space<hbm>> -> memref<64x128xf32, #tpu.memory_space<hbm>>
      %dma_start3A_159 = tpu.memref_slice %arg8[%dma_start3A_153] : memref<8x!tpu.dma_semaphore, #tpu.memory_space<semaphore_mem>> -> memref<1x!tpu.dma_semaphore, #tpu.memory_space<semaphore_mem>>
      %dma_start3A_160 = tpu.memref_squeeze %dma_start3A_159 : memref<1x!tpu.dma_semaphore, #tpu.memory_space<semaphore_mem>> -> memref<!tpu.dma_semaphore, #tpu.memory_space<semaphore_mem>>
      %dma_start3A_161 = arith.constant 0 : i32
      %dma_start3A_162 = arith.constant 384 : i32
      %dma_start3A_163 = tpu.memref_slice %arg6[%dma_start3A_161, %dma_start3A_162] : memref<64x1024xf32, #tpu.memory_space<vmem>> -> memref<64x128xf32, #tpu.memory_space<vmem>>
      %dma_start3A_164 = arith.constant 0 : i32
      %dma_start3A_165 = tpu.memref_slice %arg3[%dma_start3A_164, %multiple_of3A_152] : memref<64x1000000xf32, #tpu.memory_space<hbm>> -> memref<64x128xf32, #tpu.memory_space<hbm>>
      tpu.enqueue_dma source(%dma_start3A_165 : memref<64x128xf32, #tpu.memory_space<hbm>>) target(%dma_start3A_163 : memref<64x128xf32, #tpu.memory_space<vmem>>) target_semaphore(%dma_start3A_160 : memref<!tpu.dma_semaphore, #tpu.memory_space<semaphore_mem>>)
      %slice3A_166 = vector.extract_strided_slice %get3A_9 {offsets = [4], sizes = [1], strides = [1]} : vector<16xi32> to vector<1xi32>
      %squeeze3A_167 = vector.extract %slice3A_166[0] : i32 from vector<1xi32>
      %jit3A_168 = arith.constant 128 : i32
      %div3A_169 = arith.divsi %squeeze3A_167, %jit3A_168 : i32
      %sign3A_170 = arith.constant 0 : i32
      %sign3A_171 = arith.cmpi sgt, %squeeze3A_167, %sign3A_170 : i32
      %sign3A_172 = arith.extui %sign3A_171 : i1 to i32
      %sign3A_173 = arith.constant 0 : i32
      %sign3A_174 = arith.cmpi slt, %squeeze3A_167, %sign3A_173 : i32
      %sign3A_175 = arith.extui %sign3A_174 : i1 to i32
      %sign3A_176 = arith.subi %sign3A_172, %sign3A_175 : i32
      %sign3A_177 = arith.constant 0 : i32
      %sign3A_178 = arith.cmpi sgt, %jit3A_168, %sign3A_177 : i32
      %sign3A_179 = arith.extui %sign3A_178 : i1 to i32
      %sign3A_180 = arith.constant 0 : i32
      %sign3A_181 = arith.cmpi slt, %jit3A_168, %sign3A_180 : i32
      %sign3A_182 = arith.extui %sign3A_181 : i1 to i32
      %sign3A_183 = arith.subi %sign3A_179, %sign3A_182 : i32
      %ne3A_184 = arith.cmpi ne, %sign3A_176, %sign3A_183 : i32
      %rem3A_185 = arith.remsi %squeeze3A_167, %jit3A_168 : i32
      %ne3A_186 = arith.constant 0 : i32
      %ne3A_187 = arith.cmpi ne, %rem3A_185, %ne3A_186 : i32
      %and3A_188 = arith.andi %ne3A_184, %ne3A_187 : i1
      %sub3A_189 = arith.constant 1 : i32
      %sub3A_190 = arith.subi %div3A_169, %sub3A_189 : i32
      %select_n3A_191 = arith.select %and3A_188, %sub3A_190, %div3A_169 : i32
      %mul3A_192 = arith.constant 128 : i32
      %mul3A_193 = arith.muli %select_n3A_191, %mul3A_192 : i32
      %multiple_of3A_194 = tpu.assume_multiple %mul3A_193, 128 : i32
      %dma_start3A_195 = arith.constant 4 : i32
      %dma_start3A_196 = arith.constant 0 : i32
      %dma_start3A_197 = arith.constant 512 : i32
      %dma_start3A_198 = tpu.memref_slice %arg6[%dma_start3A_196, %dma_start3A_197] : memref<64x1024xf32, #tpu.memory_space<vmem>> -> memref<64x128xf32, #tpu.memory_space<vmem>>
      %dma_start3A_199 = arith.constant 0 : i32
      %dma_start3A_200 = tpu.memref_slice %arg3[%dma_start3A_199, %multiple_of3A_194] : memref<64x1000000xf32, #tpu.memory_space<hbm>> -> memref<64x128xf32, #tpu.memory_space<hbm>>
      %dma_start3A_201 = tpu.memref_slice %arg8[%dma_start3A_195] : memref<8x!tpu.dma_semaphore, #tpu.memory_space<semaphore_mem>> -> memref<1x!tpu.dma_semaphore, #tpu.memory_space<semaphore_mem>>
      %dma_start3A_202 = tpu.memref_squeeze %dma_start3A_201 : memref<1x!tpu.dma_semaphore, #tpu.memory_space<semaphore_mem>> -> memref<!tpu.dma_semaphore, #tpu.memory_space<semaphore_mem>>
      %dma_start3A_203 = arith.constant 0 : i32
      %dma_start3A_204 = arith.constant 512 : i32
      %dma_start3A_205 = tpu.memref_slice %arg6[%dma_start3A_203, %dma_start3A_204] : memref<64x1024xf32, #tpu.memory_space<vmem>> -> memref<64x128xf32, #tpu.memory_space<vmem>>
      %dma_start3A_206 = arith.constant 0 : i32
      %dma_start3A_207 = tpu.memref_slice %arg3[%dma_start3A_206, %multiple_of3A_194] : memref<64x1000000xf32, #tpu.memory_space<hbm>> -> memref<64x128xf32, #tpu.memory_space<hbm>>
      tpu.enqueue_dma source(%dma_start3A_207 : memref<64x128xf32, #tpu.memory_space<hbm>>) target(%dma_start3A_205 : memref<64x128xf32, #tpu.memory_space<vmem>>) target_semaphore(%dma_start3A_202 : memref<!tpu.dma_semaphore, #tpu.memory_space<semaphore_mem>>)
      %slice3A_208 = vector.extract_strided_slice %get3A_9 {offsets = [5], sizes = [1], strides = [1]} : vector<16xi32> to vector<1xi32>
      %squeeze3A_209 = vector.extract %slice3A_208[0] : i32 from vector<1xi32>
      %jit3A_210 = arith.constant 128 : i32
      %div3A_211 = arith.divsi %squeeze3A_209, %jit3A_210 : i32
      %sign3A_212 = arith.constant 0 : i32
      %sign3A_213 = arith.cmpi sgt, %squeeze3A_209, %sign3A_212 : i32
      %sign3A_214 = arith.extui %sign3A_213 : i1 to i32
      %sign3A_215 = arith.constant 0 : i32
      %sign3A_216 = arith.cmpi slt, %squeeze3A_209, %sign3A_215 : i32
      %sign3A_217 = arith.extui %sign3A_216 : i1 to i32
      %sign3A_218 = arith.subi %sign3A_214, %sign3A_217 : i32
      %sign3A_219 = arith.constant 0 : i32
      %sign3A_220 = arith.cmpi sgt, %jit3A_210, %sign3A_219 : i32
      %sign3A_221 = arith.extui %sign3A_220 : i1 to i32
      %sign3A_222 = arith.constant 0 : i32
      %sign3A_223 = arith.cmpi slt, %jit3A_210, %sign3A_222 : i32
      %sign3A_224 = arith.extui %sign3A_223 : i1 to i32
      %sign3A_225 = arith.subi %sign3A_221, %sign3A_224 : i32
      %ne3A_226 = arith.cmpi ne, %sign3A_218, %sign3A_225 : i32
      %rem3A_227 = arith.remsi %squeeze3A_209, %jit3A_210 : i32
      %ne3A_228 = arith.constant 0 : i32
      %ne3A_229 = arith.cmpi ne, %rem3A_227, %ne3A_228 : i32
      %and3A_230 = arith.andi %ne3A_226, %ne3A_229 : i1
      %sub3A_231 = arith.constant 1 : i32
      %sub3A_232 = arith.subi %div3A_211, %sub3A_231 : i32
      %select_n3A_233 = arith.select %and3A_230, %sub3A_232, %div3A_211 : i32
      %mul3A_234 = arith.constant 128 : i32
      %mul3A_235 = arith.muli %select_n3A_233, %mul3A_234 : i32
      %multiple_of3A_236 = tpu.assume_multiple %mul3A_235, 128 : i32
      %dma_start3A_237 = arith.constant 5 : i32
      %dma_start3A_238 = arith.constant 0 : i32
      %dma_start3A_239 = arith.constant 640 : i32
      %dma_start3A_240 = tpu.memref_slice %arg6[%dma_start3A_238, %dma_start3A_239] : memref<64x1024xf32, #tpu.memory_space<vmem>> -> memref<64x128xf32, #tpu.memory_space<vmem>>
      %dma_start3A_241 = arith.constant 0 : i32
      %dma_start3A_242 = tpu.memref_slice %arg3[%dma_start3A_241, %multiple_of3A_236] : memref<64x1000000xf32, #tpu.memory_space<hbm>> -> memref<64x128xf32, #tpu.memory_space<hbm>>
      %dma_start3A_243 = tpu.memref_slice %arg8[%dma_start3A_237] : memref<8x!tpu.dma_semaphore, #tpu.memory_space<semaphore_mem>> -> memref<1x!tpu.dma_semaphore, #tpu.memory_space<semaphore_mem>>
      %dma_start3A_244 = tpu.memref_squeeze %dma_start3A_243 : memref<1x!tpu.dma_semaphore, #tpu.memory_space<semaphore_mem>> -> memref<!tpu.dma_semaphore, #tpu.memory_space<semaphore_mem>>
      %dma_start3A_245 = arith.constant 0 : i32
      %dma_start3A_246 = arith.constant 640 : i32
      %dma_start3A_247 = tpu.memref_slice %arg6[%dma_start3A_245, %dma_start3A_246] : memref<64x1024xf32, #tpu.memory_space<vmem>> -> memref<64x128xf32, #tpu.memory_space<vmem>>
      %dma_start3A_248 = arith.constant 0 : i32
      %dma_start3A_249 = tpu.memref_slice %arg3[%dma_start3A_248, %multiple_of3A_236] : memref<64x1000000xf32, #tpu.memory_space<hbm>> -> memref<64x128xf32, #tpu.memory_space<hbm>>
      tpu.enqueue_dma source(%dma_start3A_249 : memref<64x128xf32, #tpu.memory_space<hbm>>) target(%dma_start3A_247 : memref<64x128xf32, #tpu.memory_space<vmem>>) target_semaphore(%dma_start3A_244 : memref<!tpu.dma_semaphore, #tpu.memory_space<semaphore_mem>>)
      %slice3A_250 = vector.extract_strided_slice %get3A_9 {offsets = [6], sizes = [1], strides = [1]} : vector<16xi32> to vector<1xi32>
      %squeeze3A_251 = vector.extract %slice3A_250[0] : i32 from vector<1xi32>
      %jit3A_252 = arith.constant 128 : i32
      %div3A_253 = arith.divsi %squeeze3A_251, %jit3A_252 : i32
      %sign3A_254 = arith.constant 0 : i32
      %sign3A_255 = arith.cmpi sgt, %squeeze3A_251, %sign3A_254 : i32
      %sign3A_256 = arith.extui %sign3A_255 : i1 to i32
      %sign3A_257 = arith.constant 0 : i32
      %sign3A_258 = arith.cmpi slt, %squeeze3A_251, %sign3A_257 : i32
      %sign3A_259 = arith.extui %sign3A_258 : i1 to i32
      %sign3A_260 = arith.subi %sign3A_256, %sign3A_259 : i32
      %sign3A_261 = arith.constant 0 : i32
      %sign3A_262 = arith.cmpi sgt, %jit3A_252, %sign3A_261 : i32
      %sign3A_263 = arith.extui %sign3A_262 : i1 to i32
      %sign3A_264 = arith.constant 0 : i32
      %sign3A_265 = arith.cmpi slt, %jit3A_252, %sign3A_264 : i32
      %sign3A_266 = arith.extui %sign3A_265 : i1 to i32
      %sign3A_267 = arith.subi %sign3A_263, %sign3A_266 : i32
      %ne3A_268 = arith.cmpi ne, %sign3A_260, %sign3A_267 : i32
      %rem3A_269 = arith.remsi %squeeze3A_251, %jit3A_252 : i32
      %ne3A_270 = arith.constant 0 : i32
      %ne3A_271 = arith.cmpi ne, %rem3A_269, %ne3A_270 : i32
      %and3A_272 = arith.andi %ne3A_268, %ne3A_271 : i1
      %sub3A_273 = arith.constant 1 : i32
      %sub3A_274 = arith.subi %div3A_253, %sub3A_273 : i32
      %select_n3A_275 = arith.select %and3A_272, %sub3A_274, %div3A_253 : i32
      %mul3A_276 = arith.constant 128 : i32
      %mul3A_277 = arith.muli %select_n3A_275, %mul3A_276 : i32
      %multiple_of3A_278 = tpu.assume_multiple %mul3A_277, 128 : i32
      %dma_start3A_279 = arith.constant 6 : i32
      %dma_start3A_280 = arith.constant 0 : i32
      %dma_start3A_281 = arith.constant 768 : i32
      %dma_start3A_282 = tpu.memref_slice %arg6[%dma_start3A_280, %dma_start3A_281] : memref<64x1024xf32, #tpu.memory_space<vmem>> -> memref<64x128xf32, #tpu.memory_space<vmem>>
      %dma_start3A_283 = arith.constant 0 : i32
      %dma_start3A_284 = tpu.memref_slice %arg3[%dma_start3A_283, %multiple_of3A_278] : memref<64x1000000xf32, #tpu.memory_space<hbm>> -> memref<64x128xf32, #tpu.memory_space<hbm>>
      %dma_start3A_285 = tpu.memref_slice %arg8[%dma_start3A_279] : memref<8x!tpu.dma_semaphore, #tpu.memory_space<semaphore_mem>> -> memref<1x!tpu.dma_semaphore, #tpu.memory_space<semaphore_mem>>
      %dma_start3A_286 = tpu.memref_squeeze %dma_start3A_285 : memref<1x!tpu.dma_semaphore, #tpu.memory_space<semaphore_mem>> -> memref<!tpu.dma_semaphore, #tpu.memory_space<semaphore_mem>>
      %dma_start3A_287 = arith.constant 0 : i32
      %dma_start3A_288 = arith.constant 768 : i32
      %dma_start3A_289 = tpu.memref_slice %arg6[%dma_start3A_287, %dma_start3A_288] : memref<64x1024xf32, #tpu.memory_space<vmem>> -> memref<64x128xf32, #tpu.memory_space<vmem>>
      %dma_start3A_290 = arith.constant 0 : i32
      %dma_start3A_291 = tpu.memref_slice %arg3[%dma_start3A_290, %multiple_of3A_278] : memref<64x1000000xf32, #tpu.memory_space<hbm>> -> memref<64x128xf32, #tpu.memory_space<hbm>>
      tpu.enqueue_dma source(%dma_start3A_291 : memref<64x128xf32, #tpu.memory_space<hbm>>) target(%dma_start3A_289 : memref<64x128xf32, #tpu.memory_space<vmem>>) target_semaphore(%dma_start3A_286 : memref<!tpu.dma_semaphore, #tpu.memory_space<semaphore_mem>>)
      %slice3A_292 = vector.extract_strided_slice %get3A_9 {offsets = [7], sizes = [1], strides = [1]} : vector<16xi32> to vector<1xi32>
      %squeeze3A_293 = vector.extract %slice3A_292[0] : i32 from vector<1xi32>
      %jit3A_294 = arith.constant 128 : i32
      %div3A_295 = arith.divsi %squeeze3A_293, %jit3A_294 : i32
      %sign3A_296 = arith.constant 0 : i32
      %sign3A_297 = arith.cmpi sgt, %squeeze3A_293, %sign3A_296 : i32
      %sign3A_298 = arith.extui %sign3A_297 : i1 to i32
      %sign3A_299 = arith.constant 0 : i32
      %sign3A_300 = arith.cmpi slt, %squeeze3A_293, %sign3A_299 : i32
      %sign3A_301 = arith.extui %sign3A_300 : i1 to i32
      %sign3A_302 = arith.subi %sign3A_298, %sign3A_301 : i32
      %sign3A_303 = arith.constant 0 : i32
      %sign3A_304 = arith.cmpi sgt, %jit3A_294, %sign3A_303 : i32
      %sign3A_305 = arith.extui %sign3A_304 : i1 to i32
      %sign3A_306 = arith.constant 0 : i32
      %sign3A_307 = arith.cmpi slt, %jit3A_294, %sign3A_306 : i32
      %sign3A_308 = arith.extui %sign3A_307 : i1 to i32
      %sign3A_309 = arith.subi %sign3A_305, %sign3A_308 : i32
      %ne3A_310 = arith.cmpi ne, %sign3A_302, %sign3A_309 : i32
      %rem3A_311 = arith.remsi %squeeze3A_293, %jit3A_294 : i32
      %ne3A_312 = arith.constant 0 : i32
      %ne3A_313 = arith.cmpi ne, %rem3A_311, %ne3A_312 : i32
      %and3A_314 = arith.andi %ne3A_310, %ne3A_313 : i1
      %sub3A_315 = arith.constant 1 : i32
      %sub3A_316 = arith.subi %div3A_295, %sub3A_315 : i32
      %select_n3A_317 = arith.select %and3A_314, %sub3A_316, %div3A_295 : i32
      %mul3A_318 = arith.constant 128 : i32
      %mul3A_319 = arith.muli %select_n3A_317, %mul3A_318 : i32
      %multiple_of3A_320 = tpu.assume_multiple %mul3A_319, 128 : i32
      %dma_start3A_321 = arith.constant 7 : i32
      %dma_start3A_322 = arith.constant 0 : i32
      %dma_start3A_323 = arith.constant 896 : i32
      %dma_start3A_324 = tpu.memref_slice %arg6[%dma_start3A_322, %dma_start3A_323] : memref<64x1024xf32, #tpu.memory_space<vmem>> -> memref<64x128xf32, #tpu.memory_space<vmem>>
      %dma_start3A_325 = arith.constant 0 : i32
      %dma_start3A_326 = tpu.memref_slice %arg3[%dma_start3A_325, %multiple_of3A_320] : memref<64x1000000xf32, #tpu.memory_space<hbm>> -> memref<64x128xf32, #tpu.memory_space<hbm>>
      %dma_start3A_327 = tpu.memref_slice %arg8[%dma_start3A_321] : memref<8x!tpu.dma_semaphore, #tpu.memory_space<semaphore_mem>> -> memref<1x!tpu.dma_semaphore, #tpu.memory_space<semaphore_mem>>
      %dma_start3A_328 = tpu.memref_squeeze %dma_start3A_327 : memref<1x!tpu.dma_semaphore, #tpu.memory_space<semaphore_mem>> -> memref<!tpu.dma_semaphore, #tpu.memory_space<semaphore_mem>>
      %dma_start3A_329 = arith.constant 0 : i32
      %dma_start3A_330 = arith.constant 896 : i32
      %dma_start3A_331 = tpu.memref_slice %arg6[%dma_start3A_329, %dma_start3A_330] : memref<64x1024xf32, #tpu.memory_space<vmem>> -> memref<64x128xf32, #tpu.memory_space<vmem>>
      %dma_start3A_332 = arith.constant 0 : i32
      %dma_start3A_333 = tpu.memref_slice %arg3[%dma_start3A_332, %multiple_of3A_320] : memref<64x1000000xf32, #tpu.memory_space<hbm>> -> memref<64x128xf32, #tpu.memory_space<hbm>>
      tpu.enqueue_dma source(%dma_start3A_333 : memref<64x128xf32, #tpu.memory_space<hbm>>) target(%dma_start3A_331 : memref<64x128xf32, #tpu.memory_space<vmem>>) target_semaphore(%dma_start3A_328 : memref<!tpu.dma_semaphore, #tpu.memory_space<semaphore_mem>>)
      %iota3A = tpu.iota {dimensions = array<i32: 0>} : vector<16xi32>
      %broadcast_in_dim3A = arith.constant 0.000000e+00 : f32
      %broadcast_in_dim3A_334 = vector.broadcast %broadcast_in_dim3A : f32 to vector<16xf32>
      %broadcast_in_dim3A_335 = arith.constant 0.000000e+00 : f32
      %broadcast_in_dim3A_336 = vector.broadcast %broadcast_in_dim3A_335 : f32 to vector<16xf32>
      %broadcast_in_dim3A_337 = arith.constant 0.000000e+00 : f32
      %broadcast_in_dim3A_338 = vector.broadcast %broadcast_in_dim3A_337 : f32 to vector<16xf32>
      %broadcast_in_dim3A_339 = arith.constant 0.000000e+00 : f32
      %broadcast_in_dim3A_340 = vector.broadcast %broadcast_in_dim3A_339 : f32 to vector<16xf32>
      %dma_wait3A = arith.constant 0 : i32
      %dma_wait3A_341 = arith.constant 0 : i32
      %dma_wait3A_342 = arith.constant 0 : i32
      %dma_wait3A_343 = tpu.memref_slice %arg6[%dma_wait3A_341, %dma_wait3A_342] : memref<64x1024xf32, #tpu.memory_space<vmem>> -> memref<64x128xf32, #tpu.memory_space<vmem>>
      %dma_wait3A_344 = arith.constant 0 : i32
      %dma_wait3A_345 = tpu.memref_slice %arg3[%dma_wait3A_344, %multiple_of3A] : memref<64x1000000xf32, #tpu.memory_space<hbm>> -> memref<64x128xf32, #tpu.memory_space<hbm>>
      %dma_wait3A_346 = tpu.memref_slice %arg8[%dma_wait3A] : memref<8x!tpu.dma_semaphore, #tpu.memory_space<semaphore_mem>> -> memref<1x!tpu.dma_semaphore, #tpu.memory_space<semaphore_mem>>
      %dma_wait3A_347 = tpu.memref_squeeze %dma_wait3A_346 : memref<1x!tpu.dma_semaphore, #tpu.memory_space<semaphore_mem>> -> memref<!tpu.dma_semaphore, #tpu.memory_space<semaphore_mem>>
      %dma_wait3A_348 = arith.constant 0 : i32
      %dma_wait3A_349 = arith.constant 0 : i32
      %dma_wait3A_350 = tpu.memref_slice %arg6[%dma_wait3A_348, %dma_wait3A_349] : memref<64x1024xf32, #tpu.memory_space<vmem>> -> memref<64x128xf32, #tpu.memory_space<vmem>>
      %dma_wait3A_351 = arith.constant 0 : i32
      %dma_wait3A_352 = tpu.memref_slice %arg3[%dma_wait3A_351, %multiple_of3A] : memref<64x1000000xf32, #tpu.memory_space<hbm>> -> memref<64x128xf32, #tpu.memory_space<hbm>>
      tpu.wait_dma2 semaphore(%dma_wait3A_347 : memref<!tpu.dma_semaphore, #tpu.memory_space<semaphore_mem>>) src(%dma_wait3A_352 : memref<64x128xf32, #tpu.memory_space<hbm>>) dst(%dma_wait3A_350 : memref<64x128xf32, #tpu.memory_space<vmem>>)
      %broadcast_in_dim3A_353 = arith.constant 0 : i32
      %broadcast_in_dim3A_354 = vector.broadcast %broadcast_in_dim3A_353 : i32 to vector<16xi32>
      %slice3A_355 = vector.extract_strided_slice %get3A_9 {offsets = [0], sizes = [1], strides = [1]} : vector<16xi32> to vector<1xi32>
      %squeeze3A_356 = vector.extract %slice3A_355[0] : i32 from vector<1xi32>
      %jit3A_357 = arith.constant 128 : i32
      %eq3A = arith.constant 0 : i32
      %eq3A_358 = arith.cmpi eq, %jit3A_357, %eq3A : i32
      %jit3A_359 = arith.constant 1 : i32
      %select_n3A_360 = arith.select %eq3A_358, %jit3A_359, %jit3A_357 : i32
      %rem3A_361 = arith.remsi %squeeze3A_356, %select_n3A_360 : i32
      %ne3A_362 = arith.constant 0 : i32
      %ne3A_363 = arith.cmpi ne, %rem3A_361, %ne3A_362 : i32
      %lt3A_364 = arith.constant 0 : i32
      %lt3A_365 = arith.cmpi slt, %rem3A_361, %lt3A_364 : i32
      %lt3A_366 = arith.constant 0 : i32
      %lt3A_367 = arith.cmpi slt, %select_n3A_360, %lt3A_366 : i32
      %ne3A_368 = arith.xori %lt3A_365, %lt3A_367 : i1
      %and3A_369 = arith.andi %ne3A_368, %ne3A_363 : i1
      %add3A_370 = arith.addi %rem3A_361, %select_n3A_360 : i32
      %select_n3A_371 = arith.select %and3A_369, %add3A_370, %rem3A_361 : i32
      %add3A_372 = vector.broadcast %select_n3A_371 : i32 to vector<16xi32>
      %add3A_373 = arith.addi %broadcast_in_dim3A_354, %add3A_372 : vector<16xi32>
      %add3A_374 = arith.constant 0 : i32
      %add3A_375 = vector.broadcast %add3A_374 : i32 to vector<16xi32>
      %add3A_376 = arith.addi %iota3A, %add3A_375 : vector<16xi32>
      %gather3A = tpu.vector_load_idx %arg6[%add3A_376, %add3A_373] : memref<64x1024xf32, #tpu.memory_space<vmem>>[vector<16xi32>, vector<16xi32>], vector<16xf32>,
      %add3A_377 = arith.addf %broadcast_in_dim3A_334, %gather3A : vector<16xf32>
      %add3A_378 = arith.constant 16 : i32
      %add3A_379 = vector.broadcast %add3A_378 : i32 to vector<16xi32>
      %add3A_380 = arith.addi %iota3A, %add3A_379 : vector<16xi32>
      %gather3A_381 = tpu.vector_load_idx %arg6[%add3A_380, %add3A_373] : memref<64x1024xf32, #tpu.memory_space<vmem>>[vector<16xi32>, vector<16xi32>], vector<16xf32>,
      %add3A_382 = arith.addf %broadcast_in_dim3A_336, %gather3A_381 : vector<16xf32>
      %add3A_383 = arith.constant 32 : i32
      %add3A_384 = vector.broadcast %add3A_383 : i32 to vector<16xi32>
      %add3A_385 = arith.addi %iota3A, %add3A_384 : vector<16xi32>
      %gather3A_386 = tpu.vector_load_idx %arg6[%add3A_385, %add3A_373] : memref<64x1024xf32, #tpu.memory_space<vmem>>[vector<16xi32>, vector<16xi32>], vector<16xf32>,
      %add3A_387 = arith.addf %broadcast_in_dim3A_338, %gather3A_386 : vector<16xf32>
      %add3A_388 = arith.constant 48 : i32
      %add3A_389 = vector.broadcast %add3A_388 : i32 to vector<16xi32>
      %add3A_390 = arith.addi %iota3A, %add3A_389 : vector<16xi32>
      %gather3A_391 = tpu.vector_load_idx %arg6[%add3A_390, %add3A_373] : memref<64x1024xf32, #tpu.memory_space<vmem>>[vector<16xi32>, vector<16xi32>], vector<16xf32>,
      %add3A_392 = arith.addf %broadcast_in_dim3A_340, %gather3A_391 : vector<16xf32>
      %dma_wait3A_393 = arith.constant 1 : i32
      %dma_wait3A_394 = arith.constant 0 : i32
      %dma_wait3A_395 = arith.constant 128 : i32
      %dma_wait3A_396 = tpu.memref_slice %arg6[%dma_wait3A_394, %dma_wait3A_395] : memref<64x1024xf32, #tpu.memory_space<vmem>> -> memref<64x128xf32, #tpu.memory_space<vmem>>
      %dma_wait3A_397 = arith.constant 0 : i32
      %dma_wait3A_398 = tpu.memref_slice %arg3[%dma_wait3A_397, %multiple_of3A_68] : memref<64x1000000xf32, #tpu.memory_space<hbm>> -> memref<64x128xf32, #tpu.memory_space<hbm>>
      %dma_wait3A_399 = tpu.memref_slice %arg8[%dma_wait3A_393] : memref<8x!tpu.dma_semaphore, #tpu.memory_space<semaphore_mem>> -> memref<1x!tpu.dma_semaphore, #tpu.memory_space<semaphore_mem>>
      %dma_wait3A_400 = tpu.memref_squeeze %dma_wait3A_399 : memref<1x!tpu.dma_semaphore, #tpu.memory_space<semaphore_mem>> -> memref<!tpu.dma_semaphore, #tpu.memory_space<semaphore_mem>>
      %dma_wait3A_401 = arith.constant 0 : i32
      %dma_wait3A_402 = arith.constant 128 : i32
      %dma_wait3A_403 = tpu.memref_slice %arg6[%dma_wait3A_401, %dma_wait3A_402] : memref<64x1024xf32, #tpu.memory_space<vmem>> -> memref<64x128xf32, #tpu.memory_space<vmem>>
      %dma_wait3A_404 = arith.constant 0 : i32
      %dma_wait3A_405 = tpu.memref_slice %arg3[%dma_wait3A_404, %multiple_of3A_68] : memref<64x1000000xf32, #tpu.memory_space<hbm>> -> memref<64x128xf32, #tpu.memory_space<hbm>>
      tpu.wait_dma2 semaphore(%dma_wait3A_400 : memref<!tpu.dma_semaphore, #tpu.memory_space<semaphore_mem>>) src(%dma_wait3A_405 : memref<64x128xf32, #tpu.memory_space<hbm>>) dst(%dma_wait3A_403 : memref<64x128xf32, #tpu.memory_space<vmem>>)
      %broadcast_in_dim3A_406 = arith.constant 128 : i32
      %broadcast_in_dim3A_407 = vector.broadcast %broadcast_in_dim3A_406 : i32 to vector<16xi32>
      %slice3A_408 = vector.extract_strided_slice %get3A_9 {offsets = [1], sizes = [1], strides = [1]} : vector<16xi32> to vector<1xi32>
      %squeeze3A_409 = vector.extract %slice3A_408[0] : i32 from vector<1xi32>
      %jit3A_410 = arith.constant 128 : i32
      %eq3A_411 = arith.constant 0 : i32
      %eq3A_412 = arith.cmpi eq, %jit3A_410, %eq3A_411 : i32
      %jit3A_413 = arith.constant 1 : i32
      %select_n3A_414 = arith.select %eq3A_412, %jit3A_413, %jit3A_410 : i32
      %rem3A_415 = arith.remsi %squeeze3A_409, %select_n3A_414 : i32
      %ne3A_416 = arith.constant 0 : i32
      %ne3A_417 = arith.cmpi ne, %rem3A_415, %ne3A_416 : i32
      %lt3A_418 = arith.constant 0 : i32
      %lt3A_419 = arith.cmpi slt, %rem3A_415, %lt3A_418 : i32
      %lt3A_420 = arith.constant 0 : i32
      %lt3A_421 = arith.cmpi slt, %select_n3A_414, %lt3A_420 : i32
      %ne3A_422 = arith.xori %lt3A_419, %lt3A_421 : i1
      %and3A_423 = arith.andi %ne3A_422, %ne3A_417 : i1
      %add3A_424 = arith.addi %rem3A_415, %select_n3A_414 : i32
      %select_n3A_425 = arith.select %and3A_423, %add3A_424, %rem3A_415 : i32
      %add3A_426 = vector.broadcast %select_n3A_425 : i32 to vector<16xi32>
      %add3A_427 = arith.addi %broadcast_in_dim3A_407, %add3A_426 : vector<16xi32>
      %add3A_428 = arith.constant 0 : i32
      %add3A_429 = vector.broadcast %add3A_428 : i32 to vector<16xi32>
      %add3A_430 = arith.addi %iota3A, %add3A_429 : vector<16xi32>
      %gather3A_431 = tpu.vector_load_idx %arg6[%add3A_430, %add3A_427] : memref<64x1024xf32, #tpu.memory_space<vmem>>[vector<16xi32>, vector<16xi32>], vector<16xf32>,
      %add3A_432 = arith.addf %add3A_377, %gather3A_431 : vector<16xf32>
      %add3A_433 = arith.constant 16 : i32
      %add3A_434 = vector.broadcast %add3A_433 : i32 to vector<16xi32>
      %add3A_435 = arith.addi %iota3A, %add3A_434 : vector<16xi32>
      %gather3A_436 = tpu.vector_load_idx %arg6[%add3A_435, %add3A_427] : memref<64x1024xf32, #tpu.memory_space<vmem>>[vector<16xi32>, vector<16xi32>], vector<16xf32>,
      %add3A_437 = arith.addf %add3A_382, %gather3A_436 : vector<16xf32>
      %add3A_438 = arith.constant 32 : i32
      %add3A_439 = vector.broadcast %add3A_438 : i32 to vector<16xi32>
      %add3A_440 = arith.addi %iota3A, %add3A_439 : vector<16xi32>
      %gather3A_441 = tpu.vector_load_idx %arg6[%add3A_440, %add3A_427] : memref<64x1024xf32, #tpu.memory_space<vmem>>[vector<16xi32>, vector<16xi32>], vector<16xf32>,
      %add3A_442 = arith.addf %add3A_387, %gather3A_441 : vector<16xf32>
      %add3A_443 = arith.constant 48 : i32
      %add3A_444 = vector.broadcast %add3A_443 : i32 to vector<16xi32>
      %add3A_445 = arith.addi %iota3A, %add3A_444 : vector<16xi32>
      %gather3A_446 = tpu.vector_load_idx %arg6[%add3A_445, %add3A_427] : memref<64x1024xf32, #tpu.memory_space<vmem>>[vector<16xi32>, vector<16xi32>], vector<16xf32>,
      %add3A_447 = arith.addf %add3A_392, %gather3A_446 : vector<16xf32>
      %dma_wait3A_448 = arith.constant 2 : i32
      %dma_wait3A_449 = arith.constant 0 : i32
      %dma_wait3A_450 = arith.constant 256 : i32
      %dma_wait3A_451 = tpu.memref_slice %arg6[%dma_wait3A_449, %dma_wait3A_450] : memref<64x1024xf32, #tpu.memory_space<vmem>> -> memref<64x128xf32, #tpu.memory_space<vmem>>
      %dma_wait3A_452 = arith.constant 0 : i32
      %dma_wait3A_453 = tpu.memref_slice %arg3[%dma_wait3A_452, %multiple_of3A_110] : memref<64x1000000xf32, #tpu.memory_space<hbm>> -> memref<64x128xf32, #tpu.memory_space<hbm>>
      %dma_wait3A_454 = tpu.memref_slice %arg8[%dma_wait3A_448] : memref<8x!tpu.dma_semaphore, #tpu.memory_space<semaphore_mem>> -> memref<1x!tpu.dma_semaphore, #tpu.memory_space<semaphore_mem>>
      %dma_wait3A_455 = tpu.memref_squeeze %dma_wait3A_454 : memref<1x!tpu.dma_semaphore, #tpu.memory_space<semaphore_mem>> -> memref<!tpu.dma_semaphore, #tpu.memory_space<semaphore_mem>>
      %dma_wait3A_456 = arith.constant 0 : i32
      %dma_wait3A_457 = arith.constant 256 : i32
      %dma_wait3A_458 = tpu.memref_slice %arg6[%dma_wait3A_456, %dma_wait3A_457] : memref<64x1024xf32, #tpu.memory_space<vmem>> -> memref<64x128xf32, #tpu.memory_space<vmem>>
      %dma_wait3A_459 = arith.constant 0 : i32
      %dma_wait3A_460 = tpu.memref_slice %arg3[%dma_wait3A_459, %multiple_of3A_110] : memref<64x1000000xf32, #tpu.memory_space<hbm>> -> memref<64x128xf32, #tpu.memory_space<hbm>>
      tpu.wait_dma2 semaphore(%dma_wait3A_455 : memref<!tpu.dma_semaphore, #tpu.memory_space<semaphore_mem>>) src(%dma_wait3A_460 : memref<64x128xf32, #tpu.memory_space<hbm>>) dst(%dma_wait3A_458 : memref<64x128xf32, #tpu.memory_space<vmem>>)
      %broadcast_in_dim3A_461 = arith.constant 256 : i32
      %broadcast_in_dim3A_462 = vector.broadcast %broadcast_in_dim3A_461 : i32 to vector<16xi32>
      %slice3A_463 = vector.extract_strided_slice %get3A_9 {offsets = [2], sizes = [1], strides = [1]} : vector<16xi32> to vector<1xi32>
      %squeeze3A_464 = vector.extract %slice3A_463[0] : i32 from vector<1xi32>
      %jit3A_465 = arith.constant 128 : i32
      %eq3A_466 = arith.constant 0 : i32
      %eq3A_467 = arith.cmpi eq, %jit3A_465, %eq3A_466 : i32
      %jit3A_468 = arith.constant 1 : i32
      %select_n3A_469 = arith.select %eq3A_467, %jit3A_468, %jit3A_465 : i32
      %rem3A_470 = arith.remsi %squeeze3A_464, %select_n3A_469 : i32
      %ne3A_471 = arith.constant 0 : i32
      %ne3A_472 = arith.cmpi ne, %rem3A_470, %ne3A_471 : i32
      %lt3A_473 = arith.constant 0 : i32
      %lt3A_474 = arith.cmpi slt, %rem3A_470, %lt3A_473 : i32
      %lt3A_475 = arith.constant 0 : i32
      %lt3A_476 = arith.cmpi slt, %select_n3A_469, %lt3A_475 : i32
      %ne3A_477 = arith.xori %lt3A_474, %lt3A_476 : i1
      %and3A_478 = arith.andi %ne3A_477, %ne3A_472 : i1
      %add3A_479 = arith.addi %rem3A_470, %select_n3A_469 : i32
      %select_n3A_480 = arith.select %and3A_478, %add3A_479, %rem3A_470 : i32
      %add3A_481 = vector.broadcast %select_n3A_480 : i32 to vector<16xi32>
      %add3A_482 = arith.addi %broadcast_in_dim3A_462, %add3A_481 : vector<16xi32>
      %add3A_483 = arith.constant 0 : i32
      %add3A_484 = vector.broadcast %add3A_483 : i32 to vector<16xi32>
      %add3A_485 = arith.addi %iota3A, %add3A_484 : vector<16xi32>
      %gather3A_486 = tpu.vector_load_idx %arg6[%add3A_485, %add3A_482] : memref<64x1024xf32, #tpu.memory_space<vmem>>[vector<16xi32>, vector<16xi32>], vector<16xf32>,
      %add3A_487 = arith.addf %add3A_432, %gather3A_486 : vector<16xf32>
      %add3A_488 = arith.constant 16 : i32
      %add3A_489 = vector.broadcast %add3A_488 : i32 to vector<16xi32>
      %add3A_490 = arith.addi %iota3A, %add3A_489 : vector<16xi32>
      %gather3A_491 = tpu.vector_load_idx %arg6[%add3A_490, %add3A_482] : memref<64x1024xf32, #tpu.memory_space<vmem>>[vector<16xi32>, vector<16xi32>], vector<16xf32>,
      %add3A_492 = arith.addf %add3A_437, %gather3A_491 : vector<16xf32>
      %add3A_493 = arith.constant 32 : i32
      %add3A_494 = vector.broadcast %add3A_493 : i32 to vector<16xi32>
      %add3A_495 = arith.addi %iota3A, %add3A_494 : vector<16xi32>
      %gather3A_496 = tpu.vector_load_idx %arg6[%add3A_495, %add3A_482] : memref<64x1024xf32, #tpu.memory_space<vmem>>[vector<16xi32>, vector<16xi32>], vector<16xf32>,
      %add3A_497 = arith.addf %add3A_442, %gather3A_496 : vector<16xf32>
      %add3A_498 = arith.constant 48 : i32
      %add3A_499 = vector.broadcast %add3A_498 : i32 to vector<16xi32>
      %add3A_500 = arith.addi %iota3A, %add3A_499 : vector<16xi32>
      %gather3A_501 = tpu.vector_load_idx %arg6[%add3A_500, %add3A_482] : memref<64x1024xf32, #tpu.memory_space<vmem>>[vector<16xi32>, vector<16xi32>], vector<16xf32>,
      %add3A_502 = arith.addf %add3A_447, %gather3A_501 : vector<16xf32>
      %dma_wait3A_503 = arith.constant 3 : i32
      %dma_wait3A_504 = arith.constant 0 : i32
      %dma_wait3A_505 = arith.constant 384 : i32
      %dma_wait3A_506 = tpu.memref_slice %arg6[%dma_wait3A_504, %dma_wait3A_505] : memref<64x1024xf32, #tpu.memory_space<vmem>> -> memref<64x128xf32, #tpu.memory_space<vmem>>
      %dma_wait3A_507 = arith.constant 0 : i32
      %dma_wait3A_508 = tpu.memref_slice %arg3[%dma_wait3A_507, %multiple_of3A_152] : memref<64x1000000xf32, #tpu.memory_space<hbm>> -> memref<64x128xf32, #tpu.memory_space<hbm>>
      %dma_wait3A_509 = tpu.memref_slice %arg8[%dma_wait3A_503] : memref<8x!tpu.dma_semaphore, #tpu.memory_space<semaphore_mem>> -> memref<1x!tpu.dma_semaphore, #tpu.memory_space<semaphore_mem>>
      %dma_wait3A_510 = tpu.memref_squeeze %dma_wait3A_509 : memref<1x!tpu.dma_semaphore, #tpu.memory_space<semaphore_mem>> -> memref<!tpu.dma_semaphore, #tpu.memory_space<semaphore_mem>>
      %dma_wait3A_511 = arith.constant 0 : i32
      %dma_wait3A_512 = arith.constant 384 : i32
      %dma_wait3A_513 = tpu.memref_slice %arg6[%dma_wait3A_511, %dma_wait3A_512] : memref<64x1024xf32, #tpu.memory_space<vmem>> -> memref<64x128xf32, #tpu.memory_space<vmem>>
      %dma_wait3A_514 = arith.constant 0 : i32
      %dma_wait3A_515 = tpu.memref_slice %arg3[%dma_wait3A_514, %multiple_of3A_152] : memref<64x1000000xf32, #tpu.memory_space<hbm>> -> memref<64x128xf32, #tpu.memory_space<hbm>>
      tpu.wait_dma2 semaphore(%dma_wait3A_510 : memref<!tpu.dma_semaphore, #tpu.memory_space<semaphore_mem>>) src(%dma_wait3A_515 : memref<64x128xf32, #tpu.memory_space<hbm>>) dst(%dma_wait3A_513 : memref<64x128xf32, #tpu.memory_space<vmem>>)
      %broadcast_in_dim3A_516 = arith.constant 384 : i32
      %broadcast_in_dim3A_517 = vector.broadcast %broadcast_in_dim3A_516 : i32 to vector<16xi32>
      %slice3A_518 = vector.extract_strided_slice %get3A_9 {offsets = [3], sizes = [1], strides = [1]} : vector<16xi32> to vector<1xi32>
      %squeeze3A_519 = vector.extract %slice3A_518[0] : i32 from vector<1xi32>
      %jit3A_520 = arith.constant 128 : i32
      %eq3A_521 = arith.constant 0 : i32
      %eq3A_522 = arith.cmpi eq, %jit3A_520, %eq3A_521 : i32
      %jit3A_523 = arith.constant 1 : i32
      %select_n3A_524 = arith.select %eq3A_522, %jit3A_523, %jit3A_520 : i32
      %rem3A_525 = arith.remsi %squeeze3A_519, %select_n3A_524 : i32
      %ne3A_526 = arith.constant 0 : i32
      %ne3A_527 = arith.cmpi ne, %rem3A_525, %ne3A_526 : i32
      %lt3A_528 = arith.constant 0 : i32
      %lt3A_529 = arith.cmpi slt, %rem3A_525, %lt3A_528 : i32
      %lt3A_530 = arith.constant 0 : i32
      %lt3A_531 = arith.cmpi slt, %select_n3A_524, %lt3A_530 : i32
      %ne3A_532 = arith.xori %lt3A_529, %lt3A_531 : i1
      %and3A_533 = arith.andi %ne3A_532, %ne3A_527 : i1
      %add3A_534 = arith.addi %rem3A_525, %select_n3A_524 : i32
      %select_n3A_535 = arith.select %and3A_533, %add3A_534, %rem3A_525 : i32
      %add3A_536 = vector.broadcast %select_n3A_535 : i32 to vector<16xi32>
      %add3A_537 = arith.addi %broadcast_in_dim3A_517, %add3A_536 : vector<16xi32>
      %add3A_538 = arith.constant 0 : i32
      %add3A_539 = vector.broadcast %add3A_538 : i32 to vector<16xi32>
      %add3A_540 = arith.addi %iota3A, %add3A_539 : vector<16xi32>
      %gather3A_541 = tpu.vector_load_idx %arg6[%add3A_540, %add3A_537] : memref<64x1024xf32, #tpu.memory_space<vmem>>[vector<16xi32>, vector<16xi32>], vector<16xf32>,
      %add3A_542 = arith.addf %add3A_487, %gather3A_541 : vector<16xf32>
      %add3A_543 = arith.constant 16 : i32
      %add3A_544 = vector.broadcast %add3A_543 : i32 to vector<16xi32>
      %add3A_545 = arith.addi %iota3A, %add3A_544 : vector<16xi32>
      %gather3A_546 = tpu.vector_load_idx %arg6[%add3A_545, %add3A_537] : memref<64x1024xf32, #tpu.memory_space<vmem>>[vector<16xi32>, vector<16xi32>], vector<16xf32>,
      %add3A_547 = arith.addf %add3A_492, %gather3A_546 : vector<16xf32>
      %add3A_548 = arith.constant 32 : i32
      %add3A_549 = vector.broadcast %add3A_548 : i32 to vector<16xi32>
      %add3A_550 = arith.addi %iota3A, %add3A_549 : vector<16xi32>
      %gather3A_551 = tpu.vector_load_idx %arg6[%add3A_550, %add3A_537] : memref<64x1024xf32, #tpu.memory_space<vmem>>[vector<16xi32>, vector<16xi32>], vector<16xf32>,
      %add3A_552 = arith.addf %add3A_497, %gather3A_551 : vector<16xf32>
      %add3A_553 = arith.constant 48 : i32
      %add3A_554 = vector.broadcast %add3A_553 : i32 to vector<16xi32>
      %add3A_555 = arith.addi %iota3A, %add3A_554 : vector<16xi32>
      %gather3A_556 = tpu.vector_load_idx %arg6[%add3A_555, %add3A_537] : memref<64x1024xf32, #tpu.memory_space<vmem>>[vector<16xi32>, vector<16xi32>], vector<16xf32>,
      %add3A_557 = arith.addf %add3A_502, %gather3A_556 : vector<16xf32>
      %dma_wait3A_558 = arith.constant 4 : i32
      %dma_wait3A_559 = arith.constant 0 : i32
      %dma_wait3A_560 = arith.constant 512 : i32
      %dma_wait3A_561 = tpu.memref_slice %arg6[%dma_wait3A_559, %dma_wait3A_560] : memref<64x1024xf32, #tpu.memory_space<vmem>> -> memref<64x128xf32, #tpu.memory_space<vmem>>
      %dma_wait3A_562 = arith.constant 0 : i32
      %dma_wait3A_563 = tpu.memref_slice %arg3[%dma_wait3A_562, %multiple_of3A_194] : memref<64x1000000xf32, #tpu.memory_space<hbm>> -> memref<64x128xf32, #tpu.memory_space<hbm>>
      %dma_wait3A_564 = tpu.memref_slice %arg8[%dma_wait3A_558] : memref<8x!tpu.dma_semaphore, #tpu.memory_space<semaphore_mem>> -> memref<1x!tpu.dma_semaphore, #tpu.memory_space<semaphore_mem>>
      %dma_wait3A_565 = tpu.memref_squeeze %dma_wait3A_564 : memref<1x!tpu.dma_semaphore, #tpu.memory_space<semaphore_mem>> -> memref<!tpu.dma_semaphore, #tpu.memory_space<semaphore_mem>>
      %dma_wait3A_566 = arith.constant 0 : i32
      %dma_wait3A_567 = arith.constant 512 : i32
      %dma_wait3A_568 = tpu.memref_slice %arg6[%dma_wait3A_566, %dma_wait3A_567] : memref<64x1024xf32, #tpu.memory_space<vmem>> -> memref<64x128xf32, #tpu.memory_space<vmem>>
      %dma_wait3A_569 = arith.constant 0 : i32
      %dma_wait3A_570 = tpu.memref_slice %arg3[%dma_wait3A_569, %multiple_of3A_194] : memref<64x1000000xf32, #tpu.memory_space<hbm>> -> memref<64x128xf32, #tpu.memory_space<hbm>>
      tpu.wait_dma2 semaphore(%dma_wait3A_565 : memref<!tpu.dma_semaphore, #tpu.memory_space<semaphore_mem>>) src(%dma_wait3A_570 : memref<64x128xf32, #tpu.memory_space<hbm>>) dst(%dma_wait3A_568 : memref<64x128xf32, #tpu.memory_space<vmem>>)
      %broadcast_in_dim3A_571 = arith.constant 512 : i32
      %broadcast_in_dim3A_572 = vector.broadcast %broadcast_in_dim3A_571 : i32 to vector<16xi32>
      %slice3A_573 = vector.extract_strided_slice %get3A_9 {offsets = [4], sizes = [1], strides = [1]} : vector<16xi32> to vector<1xi32>
      %squeeze3A_574 = vector.extract %slice3A_573[0] : i32 from vector<1xi32>
      %jit3A_575 = arith.constant 128 : i32
      %eq3A_576 = arith.constant 0 : i32
      %eq3A_577 = arith.cmpi eq, %jit3A_575, %eq3A_576 : i32
      %jit3A_578 = arith.constant 1 : i32
      %select_n3A_579 = arith.select %eq3A_577, %jit3A_578, %jit3A_575 : i32
      %rem3A_580 = arith.remsi %squeeze3A_574, %select_n3A_579 : i32
      %ne3A_581 = arith.constant 0 : i32
      %ne3A_582 = arith.cmpi ne, %rem3A_580, %ne3A_581 : i32
      %lt3A_583 = arith.constant 0 : i32
      %lt3A_584 = arith.cmpi slt, %rem3A_580, %lt3A_583 : i32
      %lt3A_585 = arith.constant 0 : i32
      %lt3A_586 = arith.cmpi slt, %select_n3A_579, %lt3A_585 : i32
      %ne3A_587 = arith.xori %lt3A_584, %lt3A_586 : i1
      %and3A_588 = arith.andi %ne3A_587, %ne3A_582 : i1
      %add3A_589 = arith.addi %rem3A_580, %select_n3A_579 : i32
      %select_n3A_590 = arith.select %and3A_588, %add3A_589, %rem3A_580 : i32
      %add3A_591 = vector.broadcast %select_n3A_590 : i32 to vector<16xi32>
      %add3A_592 = arith.addi %broadcast_in_dim3A_572, %add3A_591 : vector<16xi32>
      %add3A_593 = arith.constant 0 : i32
      %add3A_594 = vector.broadcast %add3A_593 : i32 to vector<16xi32>
      %add3A_595 = arith.addi %iota3A, %add3A_594 : vector<16xi32>
      %gather3A_596 = tpu.vector_load_idx %arg6[%add3A_595, %add3A_592] : memref<64x1024xf32, #tpu.memory_space<vmem>>[vector<16xi32>, vector<16xi32>], vector<16xf32>,
      %add3A_597 = arith.addf %add3A_542, %gather3A_596 : vector<16xf32>
      %add3A_598 = arith.constant 16 : i32
      %add3A_599 = vector.broadcast %add3A_598 : i32 to vector<16xi32>
      %add3A_600 = arith.addi %iota3A, %add3A_599 : vector<16xi32>
      %gather3A_601 = tpu.vector_load_idx %arg6[%add3A_600, %add3A_592] : memref<64x1024xf32, #tpu.memory_space<vmem>>[vector<16xi32>, vector<16xi32>], vector<16xf32>,
      %add3A_602 = arith.addf %add3A_547, %gather3A_601 : vector<16xf32>
      %add3A_603 = arith.constant 32 : i32
      %add3A_604 = vector.broadcast %add3A_603 : i32 to vector<16xi32>
      %add3A_605 = arith.addi %iota3A, %add3A_604 : vector<16xi32>
      %gather3A_606 = tpu.vector_load_idx %arg6[%add3A_605, %add3A_592] : memref<64x1024xf32, #tpu.memory_space<vmem>>[vector<16xi32>, vector<16xi32>], vector<16xf32>,
      %add3A_607 = arith.addf %add3A_552, %gather3A_606 : vector<16xf32>
      %add3A_608 = arith.constant 48 : i32
      %add3A_609 = vector.broadcast %add3A_608 : i32 to vector<16xi32>
      %add3A_610 = arith.addi %iota3A, %add3A_609 : vector<16xi32>
      %gather3A_611 = tpu.vector_load_idx %arg6[%add3A_610, %add3A_592] : memref<64x1024xf32, #tpu.memory_space<vmem>>[vector<16xi32>, vector<16xi32>], vector<16xf32>,
      %add3A_612 = arith.addf %add3A_557, %gather3A_611 : vector<16xf32>
      %dma_wait3A_613 = arith.constant 5 : i32
      %dma_wait3A_614 = arith.constant 0 : i32
      %dma_wait3A_615 = arith.constant 640 : i32
      %dma_wait3A_616 = tpu.memref_slice %arg6[%dma_wait3A_614, %dma_wait3A_615] : memref<64x1024xf32, #tpu.memory_space<vmem>> -> memref<64x128xf32, #tpu.memory_space<vmem>>
      %dma_wait3A_617 = arith.constant 0 : i32
      %dma_wait3A_618 = tpu.memref_slice %arg3[%dma_wait3A_617, %multiple_of3A_236] : memref<64x1000000xf32, #tpu.memory_space<hbm>> -> memref<64x128xf32, #tpu.memory_space<hbm>>
      %dma_wait3A_619 = tpu.memref_slice %arg8[%dma_wait3A_613] : memref<8x!tpu.dma_semaphore, #tpu.memory_space<semaphore_mem>> -> memref<1x!tpu.dma_semaphore, #tpu.memory_space<semaphore_mem>>
      %dma_wait3A_620 = tpu.memref_squeeze %dma_wait3A_619 : memref<1x!tpu.dma_semaphore, #tpu.memory_space<semaphore_mem>> -> memref<!tpu.dma_semaphore, #tpu.memory_space<semaphore_mem>>
      %dma_wait3A_621 = arith.constant 0 : i32
      %dma_wait3A_622 = arith.constant 640 : i32
      %dma_wait3A_623 = tpu.memref_slice %arg6[%dma_wait3A_621, %dma_wait3A_622] : memref<64x1024xf32, #tpu.memory_space<vmem>> -> memref<64x128xf32, #tpu.memory_space<vmem>>
      %dma_wait3A_624 = arith.constant 0 : i32
      %dma_wait3A_625 = tpu.memref_slice %arg3[%dma_wait3A_624, %multiple_of3A_236] : memref<64x1000000xf32, #tpu.memory_space<hbm>> -> memref<64x128xf32, #tpu.memory_space<hbm>>
      tpu.wait_dma2 semaphore(%dma_wait3A_620 : memref<!tpu.dma_semaphore, #tpu.memory_space<semaphore_mem>>) src(%dma_wait3A_625 : memref<64x128xf32, #tpu.memory_space<hbm>>) dst(%dma_wait3A_623 : memref<64x128xf32, #tpu.memory_space<vmem>>)
      %broadcast_in_dim3A_626 = arith.constant 640 : i32
      %broadcast_in_dim3A_627 = vector.broadcast %broadcast_in_dim3A_626 : i32 to vector<16xi32>
      %slice3A_628 = vector.extract_strided_slice %get3A_9 {offsets = [5], sizes = [1], strides = [1]} : vector<16xi32> to vector<1xi32>
      %squeeze3A_629 = vector.extract %slice3A_628[0] : i32 from vector<1xi32>
      %jit3A_630 = arith.constant 128 : i32
      %eq3A_631 = arith.constant 0 : i32
      %eq3A_632 = arith.cmpi eq, %jit3A_630, %eq3A_631 : i32
      %jit3A_633 = arith.constant 1 : i32
      %select_n3A_634 = arith.select %eq3A_632, %jit3A_633, %jit3A_630 : i32
      %rem3A_635 = arith.remsi %squeeze3A_629, %select_n3A_634 : i32
      %ne3A_636 = arith.constant 0 : i32
      %ne3A_637 = arith.cmpi ne, %rem3A_635, %ne3A_636 : i32
      %lt3A_638 = arith.constant 0 : i32
      %lt3A_639 = arith.cmpi slt, %rem3A_635, %lt3A_638 : i32
      %lt3A_640 = arith.constant 0 : i32
      %lt3A_641 = arith.cmpi slt, %select_n3A_634, %lt3A_640 : i32
      %ne3A_642 = arith.xori %lt3A_639, %lt3A_641 : i1
      %and3A_643 = arith.andi %ne3A_642, %ne3A_637 : i1
      %add3A_644 = arith.addi %rem3A_635, %select_n3A_634 : i32
      %select_n3A_645 = arith.select %and3A_643, %add3A_644, %rem3A_635 : i32
      %add3A_646 = vector.broadcast %select_n3A_645 : i32 to vector<16xi32>
      %add3A_647 = arith.addi %broadcast_in_dim3A_627, %add3A_646 : vector<16xi32>
      %add3A_648 = arith.constant 0 : i32
      %add3A_649 = vector.broadcast %add3A_648 : i32 to vector<16xi32>
      %add3A_650 = arith.addi %iota3A, %add3A_649 : vector<16xi32>
      %gather3A_651 = tpu.vector_load_idx %arg6[%add3A_650, %add3A_647] : memref<64x1024xf32, #tpu.memory_space<vmem>>[vector<16xi32>, vector<16xi32>], vector<16xf32>,
      %add3A_652 = arith.addf %add3A_597, %gather3A_651 : vector<16xf32>
      %add3A_653 = arith.constant 16 : i32
      %add3A_654 = vector.broadcast %add3A_653 : i32 to vector<16xi32>
      %add3A_655 = arith.addi %iota3A, %add3A_654 : vector<16xi32>
      %gather3A_656 = tpu.vector_load_idx %arg6[%add3A_655, %add3A_647] : memref<64x1024xf32, #tpu.memory_space<vmem>>[vector<16xi32>, vector<16xi32>], vector<16xf32>,
      %add3A_657 = arith.addf %add3A_602, %gather3A_656 : vector<16xf32>
      %add3A_658 = arith.constant 32 : i32
      %add3A_659 = vector.broadcast %add3A_658 : i32 to vector<16xi32>
      %add3A_660 = arith.addi %iota3A, %add3A_659 : vector<16xi32>
      %gather3A_661 = tpu.vector_load_idx %arg6[%add3A_660, %add3A_647] : memref<64x1024xf32, #tpu.memory_space<vmem>>[vector<16xi32>, vector<16xi32>], vector<16xf32>,
      %add3A_662 = arith.addf %add3A_607, %gather3A_661 : vector<16xf32>
      %add3A_663 = arith.constant 48 : i32
      %add3A_664 = vector.broadcast %add3A_663 : i32 to vector<16xi32>
      %add3A_665 = arith.addi %iota3A, %add3A_664 : vector<16xi32>
      %gather3A_666 = tpu.vector_load_idx %arg6[%add3A_665, %add3A_647] : memref<64x1024xf32, #tpu.memory_space<vmem>>[vector<16xi32>, vector<16xi32>], vector<16xf32>,
      %add3A_667 = arith.addf %add3A_612, %gather3A_666 : vector<16xf32>
      %dma_wait3A_668 = arith.constant 6 : i32
      %dma_wait3A_669 = arith.constant 0 : i32
      %dma_wait3A_670 = arith.constant 768 : i32
      %dma_wait3A_671 = tpu.memref_slice %arg6[%dma_wait3A_669, %dma_wait3A_670] : memref<64x1024xf32, #tpu.memory_space<vmem>> -> memref<64x128xf32, #tpu.memory_space<vmem>>
      %dma_wait3A_672 = arith.constant 0 : i32
      %dma_wait3A_673 = tpu.memref_slice %arg3[%dma_wait3A_672, %multiple_of3A_278] : memref<64x1000000xf32, #tpu.memory_space<hbm>> -> memref<64x128xf32, #tpu.memory_space<hbm>>
      %dma_wait3A_674 = tpu.memref_slice %arg8[%dma_wait3A_668] : memref<8x!tpu.dma_semaphore, #tpu.memory_space<semaphore_mem>> -> memref<1x!tpu.dma_semaphore, #tpu.memory_space<semaphore_mem>>
      %dma_wait3A_675 = tpu.memref_squeeze %dma_wait3A_674 : memref<1x!tpu.dma_semaphore, #tpu.memory_space<semaphore_mem>> -> memref<!tpu.dma_semaphore, #tpu.memory_space<semaphore_mem>>
      %dma_wait3A_676 = arith.constant 0 : i32
      %dma_wait3A_677 = arith.constant 768 : i32
      %dma_wait3A_678 = tpu.memref_slice %arg6[%dma_wait3A_676, %dma_wait3A_677] : memref<64x1024xf32, #tpu.memory_space<vmem>> -> memref<64x128xf32, #tpu.memory_space<vmem>>
      %dma_wait3A_679 = arith.constant 0 : i32
      %dma_wait3A_680 = tpu.memref_slice %arg3[%dma_wait3A_679, %multiple_of3A_278] : memref<64x1000000xf32, #tpu.memory_space<hbm>> -> memref<64x128xf32, #tpu.memory_space<hbm>>
      tpu.wait_dma2 semaphore(%dma_wait3A_675 : memref<!tpu.dma_semaphore, #tpu.memory_space<semaphore_mem>>) src(%dma_wait3A_680 : memref<64x128xf32, #tpu.memory_space<hbm>>) dst(%dma_wait3A_678 : memref<64x128xf32, #tpu.memory_space<vmem>>)
      %broadcast_in_dim3A_681 = arith.constant 768 : i32
      %broadcast_in_dim3A_682 = vector.broadcast %broadcast_in_dim3A_681 : i32 to vector<16xi32>
      %slice3A_683 = vector.extract_strided_slice %get3A_9 {offsets = [6], sizes = [1], strides = [1]} : vector<16xi32> to vector<1xi32>
      %squeeze3A_684 = vector.extract %slice3A_683[0] : i32 from vector<1xi32>
      %jit3A_685 = arith.constant 128 : i32
      %eq3A_686 = arith.constant 0 : i32
      %eq3A_687 = arith.cmpi eq, %jit3A_685, %eq3A_686 : i32
      %jit3A_688 = arith.constant 1 : i32
      %select_n3A_689 = arith.select %eq3A_687, %jit3A_688, %jit3A_685 : i32
      %rem3A_690 = arith.remsi %squeeze3A_684, %select_n3A_689 : i32
      %ne3A_691 = arith.constant 0 : i32
      %ne3A_692 = arith.cmpi ne, %rem3A_690, %ne3A_691 : i32
      %lt3A_693 = arith.constant 0 : i32
      %lt3A_694 = arith.cmpi slt, %rem3A_690, %lt3A_693 : i32
      %lt3A_695 = arith.constant 0 : i32
      %lt3A_696 = arith.cmpi slt, %select_n3A_689, %lt3A_695 : i32
      %ne3A_697 = arith.xori %lt3A_694, %lt3A_696 : i1
      %and3A_698 = arith.andi %ne3A_697, %ne3A_692 : i1
      %add3A_699 = arith.addi %rem3A_690, %select_n3A_689 : i32
      %select_n3A_700 = arith.select %and3A_698, %add3A_699, %rem3A_690 : i32
      %add3A_701 = vector.broadcast %select_n3A_700 : i32 to vector<16xi32>
      %add3A_702 = arith.addi %broadcast_in_dim3A_682, %add3A_701 : vector<16xi32>
      %add3A_703 = arith.constant 0 : i32
      %add3A_704 = vector.broadcast %add3A_703 : i32 to vector<16xi32>
      %add3A_705 = arith.addi %iota3A, %add3A_704 : vector<16xi32>
      %gather3A_706 = tpu.vector_load_idx %arg6[%add3A_705, %add3A_702] : memref<64x1024xf32, #tpu.memory_space<vmem>>[vector<16xi32>, vector<16xi32>], vector<16xf32>,
      %add3A_707 = arith.addf %add3A_652, %gather3A_706 : vector<16xf32>
      %add3A_708 = arith.constant 16 : i32
      %add3A_709 = vector.broadcast %add3A_708 : i32 to vector<16xi32>
      %add3A_710 = arith.addi %iota3A, %add3A_709 : vector<16xi32>
      %gather3A_711 = tpu.vector_load_idx %arg6[%add3A_710, %add3A_702] : memref<64x1024xf32, #tpu.memory_space<vmem>>[vector<16xi32>, vector<16xi32>], vector<16xf32>,
      %add3A_712 = arith.addf %add3A_657, %gather3A_711 : vector<16xf32>
      %add3A_713 = arith.constant 32 : i32
      %add3A_714 = vector.broadcast %add3A_713 : i32 to vector<16xi32>
      %add3A_715 = arith.addi %iota3A, %add3A_714 : vector<16xi32>
      %gather3A_716 = tpu.vector_load_idx %arg6[%add3A_715, %add3A_702] : memref<64x1024xf32, #tpu.memory_space<vmem>>[vector<16xi32>, vector<16xi32>], vector<16xf32>,
      %add3A_717 = arith.addf %add3A_662, %gather3A_716 : vector<16xf32>
      %add3A_718 = arith.constant 48 : i32
      %add3A_719 = vector.broadcast %add3A_718 : i32 to vector<16xi32>
      %add3A_720 = arith.addi %iota3A, %add3A_719 : vector<16xi32>
      %gather3A_721 = tpu.vector_load_idx %arg6[%add3A_720, %add3A_702] : memref<64x1024xf32, #tpu.memory_space<vmem>>[vector<16xi32>, vector<16xi32>], vector<16xf32>,
      %add3A_722 = arith.addf %add3A_667, %gather3A_721 : vector<16xf32>
      %dma_wait3A_723 = arith.constant 7 : i32
      %dma_wait3A_724 = arith.constant 0 : i32
      %dma_wait3A_725 = arith.constant 896 : i32
      %dma_wait3A_726 = tpu.memref_slice %arg6[%dma_wait3A_724, %dma_wait3A_725] : memref<64x1024xf32, #tpu.memory_space<vmem>> -> memref<64x128xf32, #tpu.memory_space<vmem>>
      %dma_wait3A_727 = arith.constant 0 : i32
      %dma_wait3A_728 = tpu.memref_slice %arg3[%dma_wait3A_727, %multiple_of3A_320] : memref<64x1000000xf32, #tpu.memory_space<hbm>> -> memref<64x128xf32, #tpu.memory_space<hbm>>
      %dma_wait3A_729 = tpu.memref_slice %arg8[%dma_wait3A_723] : memref<8x!tpu.dma_semaphore, #tpu.memory_space<semaphore_mem>> -> memref<1x!tpu.dma_semaphore, #tpu.memory_space<semaphore_mem>>
      %dma_wait3A_730 = tpu.memref_squeeze %dma_wait3A_729 : memref<1x!tpu.dma_semaphore, #tpu.memory_space<semaphore_mem>> -> memref<!tpu.dma_semaphore, #tpu.memory_space<semaphore_mem>>
      %dma_wait3A_731 = arith.constant 0 : i32
      %dma_wait3A_732 = arith.constant 896 : i32
      %dma_wait3A_733 = tpu.memref_slice %arg6[%dma_wait3A_731, %dma_wait3A_732] : memref<64x1024xf32, #tpu.memory_space<vmem>> -> memref<64x128xf32, #tpu.memory_space<vmem>>
      %dma_wait3A_734 = arith.constant 0 : i32
      %dma_wait3A_735 = tpu.memref_slice %arg3[%dma_wait3A_734, %multiple_of3A_320] : memref<64x1000000xf32, #tpu.memory_space<hbm>> -> memref<64x128xf32, #tpu.memory_space<hbm>>
      tpu.wait_dma2 semaphore(%dma_wait3A_730 : memref<!tpu.dma_semaphore, #tpu.memory_space<semaphore_mem>>) src(%dma_wait3A_735 : memref<64x128xf32, #tpu.memory_space<hbm>>) dst(%dma_wait3A_733 : memref<64x128xf32, #tpu.memory_space<vmem>>)
      %broadcast_in_dim3A_736 = arith.constant 896 : i32
      %broadcast_in_dim3A_737 = vector.broadcast %broadcast_in_dim3A_736 : i32 to vector<16xi32>
      %slice3A_738 = vector.extract_strided_slice %get3A_9 {offsets = [7], sizes = [1], strides = [1]} : vector<16xi32> to vector<1xi32>
      %squeeze3A_739 = vector.extract %slice3A_738[0] : i32 from vector<1xi32>
      %jit3A_740 = arith.constant 128 : i32
      %eq3A_741 = arith.constant 0 : i32
      %eq3A_742 = arith.cmpi eq, %jit3A_740, %eq3A_741 : i32
      %jit3A_743 = arith.constant 1 : i32
      %select_n3A_744 = arith.select %eq3A_742, %jit3A_743, %jit3A_740 : i32
      %rem3A_745 = arith.remsi %squeeze3A_739, %select_n3A_744 : i32
      %ne3A_746 = arith.constant 0 : i32
      %ne3A_747 = arith.cmpi ne, %rem3A_745, %ne3A_746 : i32
      %lt3A_748 = arith.constant 0 : i32
      %lt3A_749 = arith.cmpi slt, %rem3A_745, %lt3A_748 : i32
      %lt3A_750 = arith.constant 0 : i32
      %lt3A_751 = arith.cmpi slt, %select_n3A_744, %lt3A_750 : i32
      %ne3A_752 = arith.xori %lt3A_749, %lt3A_751 : i1
      %and3A_753 = arith.andi %ne3A_752, %ne3A_747 : i1
      %add3A_754 = arith.addi %rem3A_745, %select_n3A_744 : i32
      %select_n3A_755 = arith.select %and3A_753, %add3A_754, %rem3A_745 : i32
      %add3A_756 = vector.broadcast %select_n3A_755 : i32 to vector<16xi32>
      %add3A_757 = arith.addi %broadcast_in_dim3A_737, %add3A_756 : vector<16xi32>
      %add3A_758 = arith.constant 0 : i32
      %add3A_759 = vector.broadcast %add3A_758 : i32 to vector<16xi32>
      %add3A_760 = arith.addi %iota3A, %add3A_759 : vector<16xi32>
      %gather3A_761 = tpu.vector_load_idx %arg6[%add3A_760, %add3A_757] : memref<64x1024xf32, #tpu.memory_space<vmem>>[vector<16xi32>, vector<16xi32>], vector<16xf32>,
      %add3A_762 = arith.addf %add3A_707, %gather3A_761 : vector<16xf32>
      %add3A_763 = arith.constant 16 : i32
      %add3A_764 = vector.broadcast %add3A_763 : i32 to vector<16xi32>
      %add3A_765 = arith.addi %iota3A, %add3A_764 : vector<16xi32>
      %gather3A_766 = tpu.vector_load_idx %arg6[%add3A_765, %add3A_757] : memref<64x1024xf32, #tpu.memory_space<vmem>>[vector<16xi32>, vector<16xi32>], vector<16xf32>,
      %add3A_767 = arith.addf %add3A_712, %gather3A_766 : vector<16xf32>
      %add3A_768 = arith.constant 32 : i32
      %add3A_769 = vector.broadcast %add3A_768 : i32 to vector<16xi32>
      %add3A_770 = arith.addi %iota3A, %add3A_769 : vector<16xi32>
      %gather3A_771 = tpu.vector_load_idx %arg6[%add3A_770, %add3A_757] : memref<64x1024xf32, #tpu.memory_space<vmem>>[vector<16xi32>, vector<16xi32>], vector<16xf32>,
      %add3A_772 = arith.addf %add3A_717, %gather3A_771 : vector<16xf32>
      %add3A_773 = arith.constant 48 : i32
      %add3A_774 = vector.broadcast %add3A_773 : i32 to vector<16xi32>
      %add3A_775 = arith.addi %iota3A, %add3A_774 : vector<16xi32>
      %gather3A_776 = tpu.vector_load_idx %arg6[%add3A_775, %add3A_757] : memref<64x1024xf32, #tpu.memory_space<vmem>>[vector<16xi32>, vector<16xi32>], vector<16xf32>,
      %add3A_777 = arith.addf %add3A_722, %gather3A_776 : vector<16xf32>
      %swap3A = arith.constant 0 : index
      %swap3A_778 = tpu.vector_load %arg7[%swap3A] {strides = array<i32>} : memref<64xf32, #tpu.memory_space<vmem>>, vector<16xf32>,
      tpu.vector_store %arg7[%swap3A], %add3A_762 {strides = array<i32>} : memref<64xf32, #tpu.memory_space<vmem>>, vector<16xf32>,
      %swap3A_779 = arith.constant 16 : index
      %swap3A_780 = tpu.vector_load %arg7[%swap3A_779] {strides = array<i32>} : memref<64xf32, #tpu.memory_space<vmem>>, vector<16xf32>,
      tpu.vector_store %arg7[%swap3A_779], %add3A_767 {strides = array<i32>} : memref<64xf32, #tpu.memory_space<vmem>>, vector<16xf32>,
      %swap3A_781 = arith.constant 32 : index
      %swap3A_782 = tpu.vector_load %arg7[%swap3A_781] {strides = array<i32>} : memref<64xf32, #tpu.memory_space<vmem>>, vector<16xf32>,
      tpu.vector_store %arg7[%swap3A_781], %add3A_772 {strides = array<i32>} : memref<64xf32, #tpu.memory_space<vmem>>, vector<16xf32>,
      %swap3A_783 = arith.constant 48 : index
      %swap3A_784 = tpu.vector_load %arg7[%swap3A_783] {strides = array<i32>} : memref<64xf32, #tpu.memory_space<vmem>>, vector<16xf32>,
      tpu.vector_store %arg7[%swap3A_783], %add3A_777 {strides = array<i32>} : memref<64xf32, #tpu.memory_space<vmem>>, vector<16xf32>,
      "tpu.region"() ({
        %run_scoped3A = tpu.sem_alloc : memref<!tpu.dma_semaphore, #tpu.memory_space<semaphore_mem>>
        %dma_start3A_785 = arith.constant 0 : i32
        %dma_start3A_786 = tpu.memref_slice %arg4[%add3A, %dma_start3A_785] : memref<32x64xf32, #tpu.memory_space<hbm>> -> memref<1x64xf32, #tpu.memory_space<hbm>>
        %dma_start3A_787 = tpu.memref_squeeze %dma_start3A_786 : memref<1x64xf32, #tpu.memory_space<hbm>> -> memref<64xf32, #tpu.memory_space<hbm>>
        %dma_start3A_788 = arith.constant 0 : i32
        %dma_start3A_789 = tpu.memref_slice %arg4[%add3A, %dma_start3A_788] : memref<32x64xf32, #tpu.memory_space<hbm>> -> memref<1x64xf32, #tpu.memory_space<hbm>>
        %dma_start3A_790 = tpu.memref_squeeze %dma_start3A_789 : memref<1x64xf32, #tpu.memory_space<hbm>> -> memref<64xf32, #tpu.memory_space<hbm>>
        tpu.enqueue_dma source(%arg7 : memref<64xf32, #tpu.memory_space<vmem>>) target(%dma_start3A_790 : memref<64xf32, #tpu.memory_space<hbm>>) target_semaphore(%run_scoped3A : memref<!tpu.dma_semaphore, #tpu.memory_space<semaphore_mem>>)
        %dma_wait3A_791 = arith.constant 0 : i32
        %dma_wait3A_792 = tpu.memref_slice %arg4[%add3A, %dma_wait3A_791] : memref<32x64xf32, #tpu.memory_space<hbm>> -> memref<1x64xf32, #tpu.memory_space<hbm>>
        %dma_wait3A_793 = tpu.memref_squeeze %dma_wait3A_792 : memref<1x64xf32, #tpu.memory_space<hbm>> -> memref<64xf32, #tpu.memory_space<hbm>>
        %dma_wait3A_794 = arith.constant 0 : i32
        %dma_wait3A_795 = tpu.memref_slice %arg4[%add3A, %dma_wait3A_794] : memref<32x64xf32, #tpu.memory_space<hbm>> -> memref<1x64xf32, #tpu.memory_space<hbm>>
        %dma_wait3A_796 = tpu.memref_squeeze %dma_wait3A_795 : memref<1x64xf32, #tpu.memory_space<hbm>> -> memref<64xf32, #tpu.memory_space<hbm>>
        tpu.wait_dma2 semaphore(%run_scoped3A : memref<!tpu.dma_semaphore, #tpu.memory_space<semaphore_mem>>) src(%arg7 : memref<64xf32, #tpu.memory_space<vmem>>) dst(%dma_wait3A_796 : memref<64xf32, #tpu.memory_space<hbm>>)
        tpu.yield
      }) : () -> ()
    } else {
    }
    %ge3A = arith.constant 25 : i32
    %ge3A_3 = arith.cmpi sge, %add3A, %ge3A : i32
    %convert_element_type3A_4 = arith.extui %ge3A_3 : i1 to i32
    %cond3A_5 = arith.constant 0 : i32
    %cond3A_6 = arith.cmpi ne, %convert_element_type3A_4, %cond3A_5 : i32
    scf.if %cond3A_6 {
      %broadcast_in_dim3A = arith.constant 0.000000e+00 : f32
      %broadcast_in_dim3A_7 = vector.broadcast %broadcast_in_dim3A : f32 to vector<16xf32>
      %swap3A = arith.constant 0 : index
      %swap3A_8 = tpu.vector_load %arg7[%swap3A] {strides = array<i32>} : memref<64xf32, #tpu.memory_space<vmem>>, vector<16xf32>,
      tpu.vector_store %arg7[%swap3A], %broadcast_in_dim3A_7 {strides = array<i32>} : memref<64xf32, #tpu.memory_space<vmem>>, vector<16xf32>,
      %broadcast_in_dim3A_9 = arith.constant 0.000000e+00 : f32
      %broadcast_in_dim3A_10 = vector.broadcast %broadcast_in_dim3A_9 : f32 to vector<16xf32>
      %swap3A_11 = arith.constant 16 : index
      %swap3A_12 = tpu.vector_load %arg7[%swap3A_11] {strides = array<i32>} : memref<64xf32, #tpu.memory_space<vmem>>, vector<16xf32>,
      tpu.vector_store %arg7[%swap3A_11], %broadcast_in_dim3A_10 {strides = array<i32>} : memref<64xf32, #tpu.memory_space<vmem>>, vector<16xf32>,
      %broadcast_in_dim3A_13 = arith.constant 0.000000e+00 : f32
      %broadcast_in_dim3A_14 = vector.broadcast %broadcast_in_dim3A_13 : f32 to vector<16xf32>
      %swap3A_15 = arith.constant 32 : index
      %swap3A_16 = tpu.vector_load %arg7[%swap3A_15] {strides = array<i32>} : memref<64xf32, #tpu.memory_space<vmem>>, vector<16xf32>,
      tpu.vector_store %arg7[%swap3A_15], %broadcast_in_dim3A_14 {strides = array<i32>} : memref<64xf32, #tpu.memory_space<vmem>>, vector<16xf32>,
      %broadcast_in_dim3A_17 = arith.constant 0.000000e+00 : f32
      %broadcast_in_dim3A_18 = vector.broadcast %broadcast_in_dim3A_17 : f32 to vector<16xf32>
      %swap3A_19 = arith.constant 48 : index
      %swap3A_20 = tpu.vector_load %arg7[%swap3A_19] {strides = array<i32>} : memref<64xf32, #tpu.memory_space<vmem>>, vector<16xf32>,
      tpu.vector_store %arg7[%swap3A_19], %broadcast_in_dim3A_18 {strides = array<i32>} : memref<64xf32, #tpu.memory_space<vmem>>, vector<16xf32>,
      "tpu.region"() ({
        %run_scoped3A = tpu.sem_alloc : memref<!tpu.dma_semaphore, #tpu.memory_space<semaphore_mem>>
        %dma_start3A = arith.constant 0 : i32
        %dma_start3A_21 = tpu.memref_slice %arg4[%add3A, %dma_start3A] : memref<32x64xf32, #tpu.memory_space<hbm>> -> memref<1x64xf32, #tpu.memory_space<hbm>>
        %dma_start3A_22 = tpu.memref_squeeze %dma_start3A_21 : memref<1x64xf32, #tpu.memory_space<hbm>> -> memref<64xf32, #tpu.memory_space<hbm>>
        %dma_start3A_23 = arith.constant 0 : i32
        %dma_start3A_24 = tpu.memref_slice %arg4[%add3A, %dma_start3A_23] : memref<32x64xf32, #tpu.memory_space<hbm>> -> memref<1x64xf32, #tpu.memory_space<hbm>>
        %dma_start3A_25 = tpu.memref_squeeze %dma_start3A_24 : memref<1x64xf32, #tpu.memory_space<hbm>> -> memref<64xf32, #tpu.memory_space<hbm>>
        tpu.enqueue_dma source(%arg7 : memref<64xf32, #tpu.memory_space<vmem>>) target(%dma_start3A_25 : memref<64xf32, #tpu.memory_space<hbm>>) target_semaphore(%run_scoped3A : memref<!tpu.dma_semaphore, #tpu.memory_space<semaphore_mem>>)
        %dma_wait3A = arith.constant 0 : i32
        %dma_wait3A_26 = tpu.memref_slice %arg4[%add3A, %dma_wait3A] : memref<32x64xf32, #tpu.memory_space<hbm>> -> memref<1x64xf32, #tpu.memory_space<hbm>>
        %dma_wait3A_27 = tpu.memref_squeeze %dma_wait3A_26 : memref<1x64xf32, #tpu.memory_space<hbm>> -> memref<64xf32, #tpu.memory_space<hbm>>
        %dma_wait3A_28 = arith.constant 0 : i32
        %dma_wait3A_29 = tpu.memref_slice %arg4[%add3A, %dma_wait3A_28] : memref<32x64xf32, #tpu.memory_space<hbm>> -> memref<1x64xf32, #tpu.memory_space<hbm>>
        %dma_wait3A_30 = tpu.memref_squeeze %dma_wait3A_29 : memref<1x64xf32, #tpu.memory_space<hbm>> -> memref<64xf32, #tpu.memory_space<hbm>>
        tpu.wait_dma2 semaphore(%run_scoped3A : memref<!tpu.dma_semaphore, #tpu.memory_space<semaphore_mem>>) src(%arg7 : memref<64xf32, #tpu.memory_space<vmem>>) dst(%dma_wait3A_30 : memref<64xf32, #tpu.memory_space<hbm>>)
        tpu.yield
      }) : () -> ()
    } else {
    }
    return
  }
}

module attributes {stable_mosaic.version = 14 : i64} {
  func.func @_tc_combine_body(%arg0: memref<1x1000xf32, #tpu.memory_space<vmem>>, %arg1: memref<1x2112xf32, #tpu.memory_space<vmem>>, %arg2: memref<32x64xf32, #tpu.memory_space<vmem>>, %arg3: memref<1x1xf32, #tpu.memory_space<vmem>>, %arg4: memref<1x1000xf32, #tpu.memory_space<vmem>>) attributes {dimension_semantics = [], scalar_prefetch = 0 : i64, scratch_operands = 0 : i64, tpu.core_type = #tpu.core_type<tc>} {
    %get3A = arith.constant 0 : index
    %get3A_0 = arith.constant 0 : index
    %get3A_1 = vector.load %arg2[%get3A, %get3A_0] : memref<32x64xf32, #tpu.memory_space<vmem>>, vector<32x64xf32>
    %reduce_sum3A = arith.constant dense<0.000000e+00> : vector<64xf32>
    %reduce_sum3A_2 = vector.multi_reduction <add>, %get3A_1, %reduce_sum3A [0] : vector<32x64xf32> to vector<64xf32>
    %broadcast_in_dim3A = vector.shape_cast %reduce_sum3A_2 : vector<64xf32> to vector<1x64xf32>
    %get3A_3 = arith.constant 0 : index
    %get3A_4 = arith.constant 0 : index
    %get3A_5 = vector.load %arg1[%get3A_3, %get3A_4] : memref<1x2112xf32, #tpu.memory_space<vmem>>, vector<1x64xf32>
    %mul3A = arith.mulf %broadcast_in_dim3A, %get3A_5 : vector<1x64xf32>
    %reduce_sum3A_6 = vector.shape_cast %mul3A : vector<1x64xf32> to vector<1x1x64xf32>
    %reduce_sum3A_7 = arith.constant dense<0.000000e+00> : vector<1xf32>
    %reduce_sum3A_8 = vector.multi_reduction <add>, %reduce_sum3A_6, %reduce_sum3A_7 [1, 2] : vector<1x1x64xf32> to vector<1xf32>
    %reduce_sum3A_9 = vector.shape_cast %reduce_sum3A_8 : vector<1xf32> to vector<1x1x1xf32>
    %reduce_sum3A_10 = vector.extract %reduce_sum3A_9[0, 0, 0] : f32 from vector<1x1x1xf32>
    %get3A_11 = arith.constant 0 : index
    %get3A_12 = arith.constant 0 : index
    %get3A_13 = vector.load %arg3[%get3A_11, %get3A_12] : memref<1x1xf32, #tpu.memory_space<vmem>>, vector<1x1xf32>
    %get3A_14 = vector.extract %get3A_13[0, 0] : f32 from vector<1x1xf32>
    %add3A = arith.addf %reduce_sum3A_10, %get3A_14 : f32
    %get3A_15 = arith.constant 0 : index
    %get3A_16 = arith.constant 0 : index
    %get3A_17 = vector.load %arg0[%get3A_15, %get3A_16] : memref<1x1000xf32, #tpu.memory_space<vmem>>, vector<1x1000xf32>
    %add3A_18 = vector.broadcast %add3A : f32 to vector<1x1000xf32>
    %add3A_19 = arith.addf %get3A_17, %add3A_18 : vector<1x1000xf32>
    %reduce_max3A = vector.shape_cast %add3A_19 : vector<1x1000xf32> to vector<1x1x1000xf32>
    %reduce_max3A_20 = arith.constant dense<0xFF800000> : vector<1xf32>
    %reduce_max3A_21 = vector.multi_reduction <maximumf>, %reduce_max3A, %reduce_max3A_20 [1, 2] : vector<1x1x1000xf32> to vector<1xf32>
    %reduce_max3A_22 = vector.shape_cast %reduce_max3A_21 : vector<1xf32> to vector<1x1x1xf32>
    %reduce_max3A_23 = vector.extract %reduce_max3A_22[0, 0, 0] : f32 from vector<1x1x1xf32>
    %sub3A = vector.broadcast %reduce_max3A_23 : f32 to vector<1x1000xf32>
    %sub3A_24 = arith.subf %add3A_19, %sub3A : vector<1x1000xf32>
    %exp3A = math.exp %sub3A_24 : vector<1x1000xf32>
    %reduce_sum3A_25 = vector.shape_cast %exp3A : vector<1x1000xf32> to vector<1x1x1000xf32>
    %reduce_sum3A_26 = arith.constant dense<0.000000e+00> : vector<1xf32>
    %reduce_sum3A_27 = vector.multi_reduction <add>, %reduce_sum3A_25, %reduce_sum3A_26 [1, 2] : vector<1x1x1000xf32> to vector<1xf32>
    %reduce_sum3A_28 = vector.shape_cast %reduce_sum3A_27 : vector<1xf32> to vector<1x1x1xf32>
    %reduce_sum3A_29 = vector.extract %reduce_sum3A_28[0, 0, 0] : f32 from vector<1x1x1xf32>
    %div3A = vector.broadcast %reduce_sum3A_29 : f32 to vector<1x1000xf32>
    %div3A_30 = arith.divf %exp3A, %div3A : vector<1x1000xf32>
    %swap3A = arith.constant 0 : index
    %swap3A_31 = arith.constant 0 : index
    %swap3A_32 = vector.load %arg4[%swap3A, %swap3A_31] : memref<1x1000xf32, #tpu.memory_space<vmem>>, vector<1x1000xf32>
    tpu.vector_store %arg4[%swap3A, %swap3A_31], %div3A_30 {strides = array<i32>} : memref<1x1000xf32, #tpu.memory_space<vmem>>, vector<1x1000xf32>,
    return
  }
}

module attributes {stable_mosaic.version = 14 : i64} {
  func.func @_tc_matvec_body(%arg0: memref<1000x1x2048xf32, #tpu.memory_space<hbm>>, %arg1: memref<1x2112xf32, #tpu.memory_space<vmem>>, %arg2: memref<1x1000xf32, #tpu.memory_space<vmem>>, %arg3: memref<5x200x2048xf32, #tpu.memory_space<vmem>>, %arg4: memref<5x!tpu.dma_semaphore, #tpu.memory_space<semaphore_mem>>) attributes {dimension_semantics = [], scalar_prefetch = 0 : i64, scratch_operands = 2 : i64, tpu.core_type = #tpu.core_type<tc>} {
    %dma_start3A = arith.constant 0 : i32
    %dma_start3A_0 = arith.constant 0 : i32
    %dma_start3A_1 = arith.constant 0 : i32
    %dma_start3A_2 = tpu.memref_slice %arg4[%dma_start3A_1] : memref<5x!tpu.dma_semaphore, #tpu.memory_space<semaphore_mem>> -> memref<1x!tpu.dma_semaphore, #tpu.memory_space<semaphore_mem>>
    %dma_start3A_3 = tpu.memref_squeeze %dma_start3A_2 : memref<1x!tpu.dma_semaphore, #tpu.memory_space<semaphore_mem>> -> memref<!tpu.dma_semaphore, #tpu.memory_space<semaphore_mem>>
    %dma_start3A_4 = arith.constant 0 : i32
    %dma_start3A_5 = arith.constant 0 : i32
    %dma_start3A_6 = tpu.memref_slice %arg3[%dma_start3A_0, %dma_start3A_4, %dma_start3A_5] : memref<5x200x2048xf32, #tpu.memory_space<vmem>> -> memref<1x200x2048xf32, #tpu.memory_space<vmem>>
    %dma_start3A_7 = tpu.memref_squeeze %dma_start3A_6 : memref<1x200x2048xf32, #tpu.memory_space<vmem>> -> memref<200x2048xf32, #tpu.memory_space<vmem>>
    %dma_start3A_8 = arith.constant 0 : i32
    %dma_start3A_9 = arith.constant 0 : i32
    %dma_start3A_10 = tpu.memref_slice %arg0[%dma_start3A_8, %dma_start3A, %dma_start3A_9] : memref<1000x1x2048xf32, #tpu.memory_space<hbm>> -> memref<200x1x2048xf32, #tpu.memory_space<hbm>>
    %dma_start3A_11 = tpu.memref_squeeze %dma_start3A_10 : memref<200x1x2048xf32, #tpu.memory_space<hbm>> -> memref<200x2048xf32, #tpu.memory_space<hbm>>
    tpu.enqueue_dma source(%dma_start3A_11 : memref<200x2048xf32, #tpu.memory_space<hbm>>) target(%dma_start3A_7 : memref<200x2048xf32, #tpu.memory_space<vmem>>) target_semaphore(%dma_start3A_3 : memref<!tpu.dma_semaphore, #tpu.memory_space<semaphore_mem>>)
    %dma_start3A_12 = arith.constant 0 : i32
    %dma_start3A_13 = arith.constant 1 : i32
    %dma_start3A_14 = arith.constant 1 : i32
    %dma_start3A_15 = tpu.memref_slice %arg4[%dma_start3A_14] : memref<5x!tpu.dma_semaphore, #tpu.memory_space<semaphore_mem>> -> memref<1x!tpu.dma_semaphore, #tpu.memory_space<semaphore_mem>>
    %dma_start3A_16 = tpu.memref_squeeze %dma_start3A_15 : memref<1x!tpu.dma_semaphore, #tpu.memory_space<semaphore_mem>> -> memref<!tpu.dma_semaphore, #tpu.memory_space<semaphore_mem>>
    %dma_start3A_17 = arith.constant 0 : i32
    %dma_start3A_18 = arith.constant 0 : i32
    %dma_start3A_19 = tpu.memref_slice %arg3[%dma_start3A_13, %dma_start3A_17, %dma_start3A_18] : memref<5x200x2048xf32, #tpu.memory_space<vmem>> -> memref<1x200x2048xf32, #tpu.memory_space<vmem>>
    %dma_start3A_20 = tpu.memref_squeeze %dma_start3A_19 : memref<1x200x2048xf32, #tpu.memory_space<vmem>> -> memref<200x2048xf32, #tpu.memory_space<vmem>>
    %dma_start3A_21 = arith.constant 200 : i32
    %dma_start3A_22 = arith.constant 0 : i32
    %dma_start3A_23 = tpu.memref_slice %arg0[%dma_start3A_21, %dma_start3A_12, %dma_start3A_22] : memref<1000x1x2048xf32, #tpu.memory_space<hbm>> -> memref<200x1x2048xf32, #tpu.memory_space<hbm>>
    %dma_start3A_24 = tpu.memref_squeeze %dma_start3A_23 : memref<200x1x2048xf32, #tpu.memory_space<hbm>> -> memref<200x2048xf32, #tpu.memory_space<hbm>>
    tpu.enqueue_dma source(%dma_start3A_24 : memref<200x2048xf32, #tpu.memory_space<hbm>>) target(%dma_start3A_20 : memref<200x2048xf32, #tpu.memory_space<vmem>>) target_semaphore(%dma_start3A_16 : memref<!tpu.dma_semaphore, #tpu.memory_space<semaphore_mem>>)
    %dma_start3A_25 = arith.constant 0 : i32
    %dma_start3A_26 = arith.constant 2 : i32
    %dma_start3A_27 = arith.constant 2 : i32
    %dma_start3A_28 = tpu.memref_slice %arg4[%dma_start3A_27] : memref<5x!tpu.dma_semaphore, #tpu.memory_space<semaphore_mem>> -> memref<1x!tpu.dma_semaphore, #tpu.memory_space<semaphore_mem>>
    %dma_start3A_29 = tpu.memref_squeeze %dma_start3A_28 : memref<1x!tpu.dma_semaphore, #tpu.memory_space<semaphore_mem>> -> memref<!tpu.dma_semaphore, #tpu.memory_space<semaphore_mem>>
    %dma_start3A_30 = arith.constant 0 : i32
    %dma_start3A_31 = arith.constant 0 : i32
    %dma_start3A_32 = tpu.memref_slice %arg3[%dma_start3A_26, %dma_start3A_30, %dma_start3A_31] : memref<5x200x2048xf32, #tpu.memory_space<vmem>> -> memref<1x200x2048xf32, #tpu.memory_space<vmem>>
    %dma_start3A_33 = tpu.memref_squeeze %dma_start3A_32 : memref<1x200x2048xf32, #tpu.memory_space<vmem>> -> memref<200x2048xf32, #tpu.memory_space<vmem>>
    %dma_start3A_34 = arith.constant 400 : i32
    %dma_start3A_35 = arith.constant 0 : i32
    %dma_start3A_36 = tpu.memref_slice %arg0[%dma_start3A_34, %dma_start3A_25, %dma_start3A_35] : memref<1000x1x2048xf32, #tpu.memory_space<hbm>> -> memref<200x1x2048xf32, #tpu.memory_space<hbm>>
    %dma_start3A_37 = tpu.memref_squeeze %dma_start3A_36 : memref<200x1x2048xf32, #tpu.memory_space<hbm>> -> memref<200x2048xf32, #tpu.memory_space<hbm>>
    tpu.enqueue_dma source(%dma_start3A_37 : memref<200x2048xf32, #tpu.memory_space<hbm>>) target(%dma_start3A_33 : memref<200x2048xf32, #tpu.memory_space<vmem>>) target_semaphore(%dma_start3A_29 : memref<!tpu.dma_semaphore, #tpu.memory_space<semaphore_mem>>)
    %dma_start3A_38 = arith.constant 0 : i32
    %dma_start3A_39 = arith.constant 3 : i32
    %dma_start3A_40 = arith.constant 3 : i32
    %dma_start3A_41 = tpu.memref_slice %arg4[%dma_start3A_40] : memref<5x!tpu.dma_semaphore, #tpu.memory_space<semaphore_mem>> -> memref<1x!tpu.dma_semaphore, #tpu.memory_space<semaphore_mem>>
    %dma_start3A_42 = tpu.memref_squeeze %dma_start3A_41 : memref<1x!tpu.dma_semaphore, #tpu.memory_space<semaphore_mem>> -> memref<!tpu.dma_semaphore, #tpu.memory_space<semaphore_mem>>
    %dma_start3A_43 = arith.constant 0 : i32
    %dma_start3A_44 = arith.constant 0 : i32
    %dma_start3A_45 = tpu.memref_slice %arg3[%dma_start3A_39, %dma_start3A_43, %dma_start3A_44] : memref<5x200x2048xf32, #tpu.memory_space<vmem>> -> memref<1x200x2048xf32, #tpu.memory_space<vmem>>
    %dma_start3A_46 = tpu.memref_squeeze %dma_start3A_45 : memref<1x200x2048xf32, #tpu.memory_space<vmem>> -> memref<200x2048xf32, #tpu.memory_space<vmem>>
    %dma_start3A_47 = arith.constant 600 : i32
    %dma_start3A_48 = arith.constant 0 : i32
    %dma_start3A_49 = tpu.memref_slice %arg0[%dma_start3A_47, %dma_start3A_38, %dma_start3A_48] : memref<1000x1x2048xf32, #tpu.memory_space<hbm>> -> memref<200x1x2048xf32, #tpu.memory_space<hbm>>
    %dma_start3A_50 = tpu.memref_squeeze %dma_start3A_49 : memref<200x1x2048xf32, #tpu.memory_space<hbm>> -> memref<200x2048xf32, #tpu.memory_space<hbm>>
    tpu.enqueue_dma source(%dma_start3A_50 : memref<200x2048xf32, #tpu.memory_space<hbm>>) target(%dma_start3A_46 : memref<200x2048xf32, #tpu.memory_space<vmem>>) target_semaphore(%dma_start3A_42 : memref<!tpu.dma_semaphore, #tpu.memory_space<semaphore_mem>>)
    %dma_start3A_51 = arith.constant 0 : i32
    %dma_start3A_52 = arith.constant 4 : i32
    %dma_start3A_53 = arith.constant 4 : i32
    %dma_start3A_54 = tpu.memref_slice %arg4[%dma_start3A_53] : memref<5x!tpu.dma_semaphore, #tpu.memory_space<semaphore_mem>> -> memref<1x!tpu.dma_semaphore, #tpu.memory_space<semaphore_mem>>
    %dma_start3A_55 = tpu.memref_squeeze %dma_start3A_54 : memref<1x!tpu.dma_semaphore, #tpu.memory_space<semaphore_mem>> -> memref<!tpu.dma_semaphore, #tpu.memory_space<semaphore_mem>>
    %dma_start3A_56 = arith.constant 0 : i32
    %dma_start3A_57 = arith.constant 0 : i32
    %dma_start3A_58 = tpu.memref_slice %arg3[%dma_start3A_52, %dma_start3A_56, %dma_start3A_57] : memref<5x200x2048xf32, #tpu.memory_space<vmem>> -> memref<1x200x2048xf32, #tpu.memory_space<vmem>>
    %dma_start3A_59 = tpu.memref_squeeze %dma_start3A_58 : memref<1x200x2048xf32, #tpu.memory_space<vmem>> -> memref<200x2048xf32, #tpu.memory_space<vmem>>
    %dma_start3A_60 = arith.constant 800 : i32
    %dma_start3A_61 = arith.constant 0 : i32
    %dma_start3A_62 = tpu.memref_slice %arg0[%dma_start3A_60, %dma_start3A_51, %dma_start3A_61] : memref<1000x1x2048xf32, #tpu.memory_space<hbm>> -> memref<200x1x2048xf32, #tpu.memory_space<hbm>>
    %dma_start3A_63 = tpu.memref_squeeze %dma_start3A_62 : memref<200x1x2048xf32, #tpu.memory_space<hbm>> -> memref<200x2048xf32, #tpu.memory_space<hbm>>
    tpu.enqueue_dma source(%dma_start3A_63 : memref<200x2048xf32, #tpu.memory_space<hbm>>) target(%dma_start3A_59 : memref<200x2048xf32, #tpu.memory_space<vmem>>) target_semaphore(%dma_start3A_55 : memref<!tpu.dma_semaphore, #tpu.memory_space<semaphore_mem>>)
    %get3A = arith.constant 0 : index
    %get3A_64 = arith.constant 64 : index
    %get3A_65 = vector.load %arg1[%get3A, %get3A_64] : memref<1x2112xf32, #tpu.memory_space<vmem>>, vector<1x2048xf32>
    %dma_wait3A = arith.constant 0 : i32
    %dma_wait3A_66 = arith.constant 0 : i32
    %dma_wait3A_67 = arith.constant 0 : i32
    %dma_wait3A_68 = tpu.memref_slice %arg4[%dma_wait3A_67] : memref<5x!tpu.dma_semaphore, #tpu.memory_space<semaphore_mem>> -> memref<1x!tpu.dma_semaphore, #tpu.memory_space<semaphore_mem>>
    %dma_wait3A_69 = tpu.memref_squeeze %dma_wait3A_68 : memref<1x!tpu.dma_semaphore, #tpu.memory_space<semaphore_mem>> -> memref<!tpu.dma_semaphore, #tpu.memory_space<semaphore_mem>>
    %dma_wait3A_70 = arith.constant 0 : i32
    %dma_wait3A_71 = arith.constant 0 : i32
    %dma_wait3A_72 = tpu.memref_slice %arg3[%dma_wait3A_66, %dma_wait3A_70, %dma_wait3A_71] : memref<5x200x2048xf32, #tpu.memory_space<vmem>> -> memref<1x200x2048xf32, #tpu.memory_space<vmem>>
    %dma_wait3A_73 = tpu.memref_squeeze %dma_wait3A_72 : memref<1x200x2048xf32, #tpu.memory_space<vmem>> -> memref<200x2048xf32, #tpu.memory_space<vmem>>
    %dma_wait3A_74 = arith.constant 0 : i32
    %dma_wait3A_75 = arith.constant 0 : i32
    %dma_wait3A_76 = tpu.memref_slice %arg0[%dma_wait3A_74, %dma_wait3A, %dma_wait3A_75] : memref<1000x1x2048xf32, #tpu.memory_space<hbm>> -> memref<200x1x2048xf32, #tpu.memory_space<hbm>>
    %dma_wait3A_77 = tpu.memref_squeeze %dma_wait3A_76 : memref<200x1x2048xf32, #tpu.memory_space<hbm>> -> memref<200x2048xf32, #tpu.memory_space<hbm>>
    tpu.wait_dma2 semaphore(%dma_wait3A_69 : memref<!tpu.dma_semaphore, #tpu.memory_space<semaphore_mem>>) src(%dma_wait3A_77 : memref<200x2048xf32, #tpu.memory_space<hbm>>) dst(%dma_wait3A_73 : memref<200x2048xf32, #tpu.memory_space<vmem>>)
    %get3A_78 = arith.constant 0 : index
    %get3A_79 = arith.constant 0 : index
    %get3A_80 = arith.constant 0 : index
    %get3A_81 = vector.load %arg3[%get3A_78, %get3A_79, %get3A_80] : memref<5x200x2048xf32, #tpu.memory_space<vmem>>, vector<1x200x2048xf32>
    %get3A_82 = vector.shape_cast %get3A_81 : vector<1x200x2048xf32> to vector<200x2048xf32>
    %dot_general3A = arith.constant dense<0.000000e+00> : vector<1x200xf32>
    %dot_general3A_83 = tpu.matmul %get3A_65, %get3A_82, %dot_general3A {dimension_numbers = #tpu.dot_dimension_numbers<[1], [1], [0], [0], [0, 0, 1, 0], [], []>, transpose_lhs_hint = false} : vector<1x2048xf32>, vector<200x2048xf32>, vector<1x200xf32> -> vector<1x200xf32>
    %swap3A = arith.constant 0 : index
    %swap3A_84 = arith.constant 0 : index
    %swap3A_85 = vector.load %arg2[%swap3A, %swap3A_84] : memref<1x1000xf32, #tpu.memory_space<vmem>>, vector<1x200xf32>
    tpu.vector_store %arg2[%swap3A, %swap3A_84], %dot_general3A_83 {strides = array<i32>} : memref<1x1000xf32, #tpu.memory_space<vmem>>, vector<1x200xf32>,
    %dma_wait3A_86 = arith.constant 0 : i32
    %dma_wait3A_87 = arith.constant 1 : i32
    %dma_wait3A_88 = arith.constant 1 : i32
    %dma_wait3A_89 = tpu.memref_slice %arg4[%dma_wait3A_88] : memref<5x!tpu.dma_semaphore, #tpu.memory_space<semaphore_mem>> -> memref<1x!tpu.dma_semaphore, #tpu.memory_space<semaphore_mem>>
    %dma_wait3A_90 = tpu.memref_squeeze %dma_wait3A_89 : memref<1x!tpu.dma_semaphore, #tpu.memory_space<semaphore_mem>> -> memref<!tpu.dma_semaphore, #tpu.memory_space<semaphore_mem>>
    %dma_wait3A_91 = arith.constant 0 : i32
    %dma_wait3A_92 = arith.constant 0 : i32
    %dma_wait3A_93 = tpu.memref_slice %arg3[%dma_wait3A_87, %dma_wait3A_91, %dma_wait3A_92] : memref<5x200x2048xf32, #tpu.memory_space<vmem>> -> memref<1x200x2048xf32, #tpu.memory_space<vmem>>
    %dma_wait3A_94 = tpu.memref_squeeze %dma_wait3A_93 : memref<1x200x2048xf32, #tpu.memory_space<vmem>> -> memref<200x2048xf32, #tpu.memory_space<vmem>>
    %dma_wait3A_95 = arith.constant 200 : i32
    %dma_wait3A_96 = arith.constant 0 : i32
    %dma_wait3A_97 = tpu.memref_slice %arg0[%dma_wait3A_95, %dma_wait3A_86, %dma_wait3A_96] : memref<1000x1x2048xf32, #tpu.memory_space<hbm>> -> memref<200x1x2048xf32, #tpu.memory_space<hbm>>
    %dma_wait3A_98 = tpu.memref_squeeze %dma_wait3A_97 : memref<200x1x2048xf32, #tpu.memory_space<hbm>> -> memref<200x2048xf32, #tpu.memory_space<hbm>>
    tpu.wait_dma2 semaphore(%dma_wait3A_90 : memref<!tpu.dma_semaphore, #tpu.memory_space<semaphore_mem>>) src(%dma_wait3A_98 : memref<200x2048xf32, #tpu.memory_space<hbm>>) dst(%dma_wait3A_94 : memref<200x2048xf32, #tpu.memory_space<vmem>>)
    %get3A_99 = arith.constant 1 : index
    %get3A_100 = arith.constant 0 : index
    %get3A_101 = arith.constant 0 : index
    %get3A_102 = vector.load %arg3[%get3A_99, %get3A_100, %get3A_101] : memref<5x200x2048xf32, #tpu.memory_space<vmem>>, vector<1x200x2048xf32>
    %get3A_103 = vector.shape_cast %get3A_102 : vector<1x200x2048xf32> to vector<200x2048xf32>
    %dot_general3A_104 = arith.constant dense<0.000000e+00> : vector<1x200xf32>
    %dot_general3A_105 = tpu.matmul %get3A_65, %get3A_103, %dot_general3A_104 {dimension_numbers = #tpu.dot_dimension_numbers<[1], [1], [0], [0], [0, 0, 1, 0], [], []>, transpose_lhs_hint = false} : vector<1x2048xf32>, vector<200x2048xf32>, vector<1x200xf32> -> vector<1x200xf32>
    %swap3A_106 = arith.constant 0 : index
    %swap3A_107 = arith.constant 200 : index
    %swap3A_108 = vector.load %arg2[%swap3A_106, %swap3A_107] : memref<1x1000xf32, #tpu.memory_space<vmem>>, vector<1x200xf32>
    tpu.vector_store %arg2[%swap3A_106, %swap3A_107], %dot_general3A_105 {strides = array<i32>} : memref<1x1000xf32, #tpu.memory_space<vmem>>, vector<1x200xf32>,
    %dma_wait3A_109 = arith.constant 0 : i32
    %dma_wait3A_110 = arith.constant 2 : i32
    %dma_wait3A_111 = arith.constant 2 : i32
    %dma_wait3A_112 = tpu.memref_slice %arg4[%dma_wait3A_111] : memref<5x!tpu.dma_semaphore, #tpu.memory_space<semaphore_mem>> -> memref<1x!tpu.dma_semaphore, #tpu.memory_space<semaphore_mem>>
    %dma_wait3A_113 = tpu.memref_squeeze %dma_wait3A_112 : memref<1x!tpu.dma_semaphore, #tpu.memory_space<semaphore_mem>> -> memref<!tpu.dma_semaphore, #tpu.memory_space<semaphore_mem>>
    %dma_wait3A_114 = arith.constant 0 : i32
    %dma_wait3A_115 = arith.constant 0 : i32
    %dma_wait3A_116 = tpu.memref_slice %arg3[%dma_wait3A_110, %dma_wait3A_114, %dma_wait3A_115] : memref<5x200x2048xf32, #tpu.memory_space<vmem>> -> memref<1x200x2048xf32, #tpu.memory_space<vmem>>
    %dma_wait3A_117 = tpu.memref_squeeze %dma_wait3A_116 : memref<1x200x2048xf32, #tpu.memory_space<vmem>> -> memref<200x2048xf32, #tpu.memory_space<vmem>>
    %dma_wait3A_118 = arith.constant 400 : i32
    %dma_wait3A_119 = arith.constant 0 : i32
    %dma_wait3A_120 = tpu.memref_slice %arg0[%dma_wait3A_118, %dma_wait3A_109, %dma_wait3A_119] : memref<1000x1x2048xf32, #tpu.memory_space<hbm>> -> memref<200x1x2048xf32, #tpu.memory_space<hbm>>
    %dma_wait3A_121 = tpu.memref_squeeze %dma_wait3A_120 : memref<200x1x2048xf32, #tpu.memory_space<hbm>> -> memref<200x2048xf32, #tpu.memory_space<hbm>>
    tpu.wait_dma2 semaphore(%dma_wait3A_113 : memref<!tpu.dma_semaphore, #tpu.memory_space<semaphore_mem>>) src(%dma_wait3A_121 : memref<200x2048xf32, #tpu.memory_space<hbm>>) dst(%dma_wait3A_117 : memref<200x2048xf32, #tpu.memory_space<vmem>>)
    %get3A_122 = arith.constant 2 : index
    %get3A_123 = arith.constant 0 : index
    %get3A_124 = arith.constant 0 : index
    %get3A_125 = vector.load %arg3[%get3A_122, %get3A_123, %get3A_124] : memref<5x200x2048xf32, #tpu.memory_space<vmem>>, vector<1x200x2048xf32>
    %get3A_126 = vector.shape_cast %get3A_125 : vector<1x200x2048xf32> to vector<200x2048xf32>
    %dot_general3A_127 = arith.constant dense<0.000000e+00> : vector<1x200xf32>
    %dot_general3A_128 = tpu.matmul %get3A_65, %get3A_126, %dot_general3A_127 {dimension_numbers = #tpu.dot_dimension_numbers<[1], [1], [0], [0], [0, 0, 1, 0], [], []>, transpose_lhs_hint = false} : vector<1x2048xf32>, vector<200x2048xf32>, vector<1x200xf32> -> vector<1x200xf32>
    %swap3A_129 = arith.constant 0 : index
    %swap3A_130 = arith.constant 400 : index
    %swap3A_131 = vector.load %arg2[%swap3A_129, %swap3A_130] : memref<1x1000xf32, #tpu.memory_space<vmem>>, vector<1x200xf32>
    tpu.vector_store %arg2[%swap3A_129, %swap3A_130], %dot_general3A_128 {strides = array<i32>} : memref<1x1000xf32, #tpu.memory_space<vmem>>, vector<1x200xf32>,
    %dma_wait3A_132 = arith.constant 0 : i32
    %dma_wait3A_133 = arith.constant 3 : i32
    %dma_wait3A_134 = arith.constant 3 : i32
    %dma_wait3A_135 = tpu.memref_slice %arg4[%dma_wait3A_134] : memref<5x!tpu.dma_semaphore, #tpu.memory_space<semaphore_mem>> -> memref<1x!tpu.dma_semaphore, #tpu.memory_space<semaphore_mem>>
    %dma_wait3A_136 = tpu.memref_squeeze %dma_wait3A_135 : memref<1x!tpu.dma_semaphore, #tpu.memory_space<semaphore_mem>> -> memref<!tpu.dma_semaphore, #tpu.memory_space<semaphore_mem>>
    %dma_wait3A_137 = arith.constant 0 : i32
    %dma_wait3A_138 = arith.constant 0 : i32
    %dma_wait3A_139 = tpu.memref_slice %arg3[%dma_wait3A_133, %dma_wait3A_137, %dma_wait3A_138] : memref<5x200x2048xf32, #tpu.memory_space<vmem>> -> memref<1x200x2048xf32, #tpu.memory_space<vmem>>
    %dma_wait3A_140 = tpu.memref_squeeze %dma_wait3A_139 : memref<1x200x2048xf32, #tpu.memory_space<vmem>> -> memref<200x2048xf32, #tpu.memory_space<vmem>>
    %dma_wait3A_141 = arith.constant 600 : i32
    %dma_wait3A_142 = arith.constant 0 : i32
    %dma_wait3A_143 = tpu.memref_slice %arg0[%dma_wait3A_141, %dma_wait3A_132, %dma_wait3A_142] : memref<1000x1x2048xf32, #tpu.memory_space<hbm>> -> memref<200x1x2048xf32, #tpu.memory_space<hbm>>
    %dma_wait3A_144 = tpu.memref_squeeze %dma_wait3A_143 : memref<200x1x2048xf32, #tpu.memory_space<hbm>> -> memref<200x2048xf32, #tpu.memory_space<hbm>>
    tpu.wait_dma2 semaphore(%dma_wait3A_136 : memref<!tpu.dma_semaphore, #tpu.memory_space<semaphore_mem>>) src(%dma_wait3A_144 : memref<200x2048xf32, #tpu.memory_space<hbm>>) dst(%dma_wait3A_140 : memref<200x2048xf32, #tpu.memory_space<vmem>>)
    %get3A_145 = arith.constant 3 : index
    %get3A_146 = arith.constant 0 : index
    %get3A_147 = arith.constant 0 : index
    %get3A_148 = vector.load %arg3[%get3A_145, %get3A_146, %get3A_147] : memref<5x200x2048xf32, #tpu.memory_space<vmem>>, vector<1x200x2048xf32>
    %get3A_149 = vector.shape_cast %get3A_148 : vector<1x200x2048xf32> to vector<200x2048xf32>
    %dot_general3A_150 = arith.constant dense<0.000000e+00> : vector<1x200xf32>
    %dot_general3A_151 = tpu.matmul %get3A_65, %get3A_149, %dot_general3A_150 {dimension_numbers = #tpu.dot_dimension_numbers<[1], [1], [0], [0], [0, 0, 1, 0], [], []>, transpose_lhs_hint = false} : vector<1x2048xf32>, vector<200x2048xf32>, vector<1x200xf32> -> vector<1x200xf32>
    %swap3A_152 = arith.constant 0 : index
    %swap3A_153 = arith.constant 600 : index
    %swap3A_154 = vector.load %arg2[%swap3A_152, %swap3A_153] : memref<1x1000xf32, #tpu.memory_space<vmem>>, vector<1x200xf32>
    tpu.vector_store %arg2[%swap3A_152, %swap3A_153], %dot_general3A_151 {strides = array<i32>} : memref<1x1000xf32, #tpu.memory_space<vmem>>, vector<1x200xf32>,
    %dma_wait3A_155 = arith.constant 0 : i32
    %dma_wait3A_156 = arith.constant 4 : i32
    %dma_wait3A_157 = arith.constant 4 : i32
    %dma_wait3A_158 = tpu.memref_slice %arg4[%dma_wait3A_157] : memref<5x!tpu.dma_semaphore, #tpu.memory_space<semaphore_mem>> -> memref<1x!tpu.dma_semaphore, #tpu.memory_space<semaphore_mem>>
    %dma_wait3A_159 = tpu.memref_squeeze %dma_wait3A_158 : memref<1x!tpu.dma_semaphore, #tpu.memory_space<semaphore_mem>> -> memref<!tpu.dma_semaphore, #tpu.memory_space<semaphore_mem>>
    %dma_wait3A_160 = arith.constant 0 : i32
    %dma_wait3A_161 = arith.constant 0 : i32
    %dma_wait3A_162 = tpu.memref_slice %arg3[%dma_wait3A_156, %dma_wait3A_160, %dma_wait3A_161] : memref<5x200x2048xf32, #tpu.memory_space<vmem>> -> memref<1x200x2048xf32, #tpu.memory_space<vmem>>
    %dma_wait3A_163 = tpu.memref_squeeze %dma_wait3A_162 : memref<1x200x2048xf32, #tpu.memory_space<vmem>> -> memref<200x2048xf32, #tpu.memory_space<vmem>>
    %dma_wait3A_164 = arith.constant 800 : i32
    %dma_wait3A_165 = arith.constant 0 : i32
    %dma_wait3A_166 = tpu.memref_slice %arg0[%dma_wait3A_164, %dma_wait3A_155, %dma_wait3A_165] : memref<1000x1x2048xf32, #tpu.memory_space<hbm>> -> memref<200x1x2048xf32, #tpu.memory_space<hbm>>
    %dma_wait3A_167 = tpu.memref_squeeze %dma_wait3A_166 : memref<200x1x2048xf32, #tpu.memory_space<hbm>> -> memref<200x2048xf32, #tpu.memory_space<hbm>>
    tpu.wait_dma2 semaphore(%dma_wait3A_159 : memref<!tpu.dma_semaphore, #tpu.memory_space<semaphore_mem>>) src(%dma_wait3A_167 : memref<200x2048xf32, #tpu.memory_space<hbm>>) dst(%dma_wait3A_163 : memref<200x2048xf32, #tpu.memory_space<vmem>>)
    %get3A_168 = arith.constant 4 : index
    %get3A_169 = arith.constant 0 : index
    %get3A_170 = arith.constant 0 : index
    %get3A_171 = vector.load %arg3[%get3A_168, %get3A_169, %get3A_170] : memref<5x200x2048xf32, #tpu.memory_space<vmem>>, vector<1x200x2048xf32>
    %get3A_172 = vector.shape_cast %get3A_171 : vector<1x200x2048xf32> to vector<200x2048xf32>
    %dot_general3A_173 = arith.constant dense<0.000000e+00> : vector<1x200xf32>
    %dot_general3A_174 = tpu.matmul %get3A_65, %get3A_172, %dot_general3A_173 {dimension_numbers = #tpu.dot_dimension_numbers<[1], [1], [0], [0], [0, 0, 1, 0], [], []>, transpose_lhs_hint = false} : vector<1x2048xf32>, vector<200x2048xf32>, vector<1x200xf32> -> vector<1x200xf32>
    %swap3A_175 = arith.constant 0 : index
    %swap3A_176 = arith.constant 800 : index
    %swap3A_177 = vector.load %arg2[%swap3A_175, %swap3A_176] : memref<1x1000xf32, #tpu.memory_space<vmem>>, vector<1x200xf32>
    tpu.vector_store %arg2[%swap3A_175, %swap3A_176], %dot_general3A_174 {strides = array<i32>} : memref<1x1000xf32, #tpu.memory_space<vmem>>, vector<1x200xf32>,
    return
  }
}

</mosaic_0001>

<sc_bundles>
// kernel: kernel.5.cloned.1.call-start
scs
__scs_entry_jumppad:
0x0: {  	(pc) =	sbr.rel $0x88, $3  }
0x1: {  	(tag) =	ssettag $0x0;
	lr =	simm.s32 $0x1  }
0x2: {  	[smem:$0x3F9C] =	sst lr;
	_ =	strace $0xD0000000  }
0x3: {  	_ = 	snop  }
0x4: {  	_ = 	snop  }
0x5: {  	_ = 	snop  }
0x6: {  	_ = 	snop  }
0x7: {  	_ = 	snop  }
__scs_overlays_trampoline_lowered:
0x8: {  	[smem:$0x3FAB] =	sst s0  }
0x9: {  	[smem:$0x3FAC] =	sst s1  }
0xa: {  	[smem:$0x3FAD] =	sst s2  }
0xb: {  	[smem:$0x3FAE] =	sst s3  }
0xc: {  	[smem:$0x3FAF] =	sst s4  }
0xd: {  	[smem:$0x3FB0] =	sst s5  }
0xe: {  	[smem:$0x3FB1] =	sst s6  }
0xf: {  	[smem:$0x3FB2] =	sst s7  }
0x10: {  	[smem:$0x3FB3] =	sst s8  }
0x11: {  	[smem:$0x3FB4] =	sst s9;
	s0 =	simm.s32 @!p0 $0x0  }
0x12: {  	s1 =	sld [smem:$0x3F9A];
	s0 =	simm.s32 @p0 $0x1  }
0x13: {  	[smem:$0x3FB5] =	sst s0;
	s0 =	simm.s32 @!p1 $0x0  }
0x14: {  	s2 =	sld [smem:$0x3F99];
	s0 =	simm.s32 @p1 $0x1  }
0x15: {  	[smem:$0x3FB6] =	sst s0;
	s0 =	simm.s32 @!p2 $0x0  }
0x16: {  	s3 =	sld [smem:$0x3FDB];
	s0 =	simm.s32 @p2 $0x1  }
0x17: {  	s4 =	simm.s32 $0x1BF5;
	[smem:$0x3FB8] =	sst s0  }
0x18: {  	s0 =	sld [smem:$0x3F9B];
	_ =	swait.ge [sflag:s4], $0x0  }
0x19: {  	s7 =	sld [smem:$0x3F9C]  }
0x1a: {  	s8 =	sadd.s32 $0xFFFFE003, lr  }
0x1b: {  	s9 =	sadd.s32 $0xFFFFFEF7, lr;
	s5 =	simm.s32 $0xFFFFFFFF;
	p2 =	slt.u32 s8, $0xFFFFF086  }
0x1c: {  	p1 =	slt.u32 s9, $0xF7A;
	s5 =	simm.s32 @!p2 $0x0  }
0x1d: {  	s5 =	simm.s32 @p1 $0x1;
	p0 =	seq.s32 s7, s2  }
0x1e: {  	s7 =	smul.u32 @!p0 $0xF7A, s2;
	p2 =	seq.s32 @!p0 s5, $0x0  }
0x1f: {  	s9 =	smul.u32 $0xF7A, s1;
	s8 =	simm.s32 @!p0 $0x1BF5;
	p2 =	por !p2, p0  }
0x20: {  	[sflag:s8] =	ssyncset.s32 @!p0 $0xFFFFF086;
	s6 =	sadd.s32 @!p0 s3, s7;
	s7 =	simm.s32 @!p0 $0x108  }
0x21: {  	s3 =	sadd.s32 s3, s9;
	s6 =	sadd.s32 @!p0 $0x88, s6;
	s7 =	simm.s32 @p2 $0x1082  }
0x22: {  	[simem:s7], [sflag:s8] =	dma.local @!p0 [hbm:s6], $0xF7A  }
0x23: {  	s9 =	sor.u32 $0xD0000000, s2;
	s6 =	simm.s32 $0x108;
	_ =	swait.ge @!p0 [sflag:s8], $0x0  }
0x24: {  	s3 =	sadd.s32 $0x88, s3;
	s6 =	simm.s32 @!p1 $0x1082;
	[sflag:s4] =	ssyncset.s32 $0xFFFFF086  }
0x25: {  	[simem:s6], [sflag:s4] =	dma.local [hbm:s3], $0xF7A  }
0x26: {  	[smem:$0x3F9C] =	sst s1;
	(tag) =	ssettag s2;
	_ =	strace s9  }
0x27: {  	s1 =	sld [smem:$0x3FAC]  }
0x28: {  	s2 =	sld [smem:$0x3FAD]  }
0x29: {  	s4 =	sld [smem:$0x3FAF]  }
0x2a: {  	p0 =	seq.s32 s5, $0x0;
	s5 =	sld [smem:$0x3FB0]  }
0x2b: {  	s6 =	sld [smem:$0x3FB1]  }
0x2c: {  	s7 =	sld [smem:$0x3FB2]  }
0x2d: {  	s3 =	simm.s32 $0x108;
	s8 =	sld [smem:$0x3FB3]  }
0x2e: {  	s3 =	simm.s32 @!p0 $0x1082;
	s9 =	sld [smem:$0x3FB4]  }
0x2f: {  	lr =	sadd.s32 s0, s3;
	s0 =	sld [smem:$0x3FAB]  }
0x30: {  	s3 =	sld [smem:$0x3FAE]  }
0x31: {  	[smem:$0x3FB7] =	sst s10  }
0x32: {  	s10 =	sld [smem:$0x3FB5];
	_ =	sdelay $0x3  }
0x33: {  	p0 =	seq.s32 s10, $0x1;
	s10 =	sld [smem:$0x3FB7];
	_ =	sdelay $0x3  }
0x34: {  	[smem:$0x3FB7] =	sst s10  }
0x35: {  	s10 =	sld [smem:$0x3FB6];
	_ =	sdelay $0x3  }
0x36: {  	p1 =	seq.s32 s10, $0x1;
	s10 =	sld [smem:$0x3FB7];
	_ =	sdelay $0x3  }
0x37: {  	[smem:$0x3FB7] =	sst s10  }
0x38: {  	s10 =	sld [smem:$0x3FB8]  }
0x39: {  	_ = 	snop;
	(pc) =	sbr.ind lr, $3  }
0x3a: {  	_ = 	snop  }
0x3b: {  	_ = 	snop  }
0x3c: {  	p2 =	seq.s32 s10, $0x1;
	s10 =	sld [smem:$0x3FB7]  }
0x3d: {  	_ =	shalt  }
0x3e: {  	_ =	shalt  }
0x3f: {  	_ =	shalt  }
0x40: {  	_ =	shalt  }
0x41: {  	_ =	shalt  }
0x42: {  	_ =	shalt  }
0x43: {  	_ =	shalt  }
0x44: {  	_ =	shalt  }
0x45: {  	_ =	shalt  }
0x46: {  	_ =	shalt  }
0x47: {  	_ =	shalt  }
0x48: {  	_ =	shalt  }
0x49: {  	_ =	shalt  }
0x4a: {  	_ =	shalt  }
0x4b: {  	_ =	shalt  }
0x4c: {  	_ =	shalt  }
0x4d: {  	_ =	shalt  }
0x4e: {  	_ =	shalt  }
0x4f: {  	_ =	shalt  }
0x50: {  	_ =	shalt  }
0x51: {  	_ =	shalt  }
0x52: {  	_ =	shalt  }
0x53: {  	_ =	shalt  }
0x54: {  	_ =	shalt  }
0x55: {  	_ =	shalt  }
0x56: {  	_ =	shalt  }
0x57: {  	_ =	shalt  }
0x58: {  	_ =	shalt  }
0x59: {  	_ =	shalt  }
0x5a: {  	_ =	shalt  }
0x5b: {  	_ =	shalt  }
0x5c: {  	_ =	shalt  }
0x5d: {  	_ =	shalt  }
0x5e: {  	_ =	shalt  }
0x5f: {  	_ =	shalt  }
0x60: {  	_ =	shalt  }
0x61: {  	_ =	shalt  }
0x62: {  	_ =	shalt  }
0x63: {  	_ =	shalt  }
0x64: {  	_ =	shalt  }
0x65: {  	_ =	shalt  }
0x66: {  	_ =	shalt  }
0x67: {  	_ =	shalt  }
0x68: {  	_ =	shalt  }
0x69: {  	_ =	shalt  }
0x6a: {  	_ =	shalt  }
0x6b: {  	_ =	shalt  }
0x6c: {  	_ =	shalt  }
0x6d: {  	_ =	shalt  }
0x6e: {  	_ =	shalt  }
0x6f: {  	_ =	shalt  }
0x70: {  	_ =	shalt  }
0x71: {  	_ =	shalt  }
0x72: {  	_ =	shalt  }
0x73: {  	_ =	shalt  }
0x74: {  	_ =	shalt  }
0x75: {  	_ =	shalt  }
0x76: {  	_ =	shalt  }
0x77: {  	_ =	shalt  }
0x78: {  	_ =	shalt  }
0x79: {  	_ =	shalt  }
0x7a: {  	_ =	shalt  }
0x7b: {  	_ =	shalt  }
0x7c: {  	_ =	shalt  }
0x7d: {  	_ =	shalt  }
0x7e: {  	_ =	shalt  }
0x7f: {  	_ =	shalt  }
0x80: {  	_ =	shalt  }
0x81: {  	_ =	shalt  }
0x82: {  	_ =	shalt  }
0x83: {  	_ =	shalt  }
0x84: {  	_ =	shalt  }
0x85: {  	_ =	shalt  }
0x86: {  	_ =	shalt  }
0x87: {  	_ =	shalt  }
.Lfunc_end0:
.L_simem_size_0:
called_computation_lowered:
.L_overlay_start_0:
0x88: {  	s2 =	sld [smem:$0x3FD9]  }
0x89: {  	s3 =	sld [smem:$0x3FFE];
	_ =	sdelay $0x1  }
0x8a: {  	s1 =	srdreg.scid  }
0x8b: {  	s0 =	sand.u32 $0x1, s1  }
0x8c: {  	s17 =	sshll.u32 s0, $0xA;
	s2 =	sadd.s32 s3, s2  }
0x8d: {  	s2 =	sadd.s32 s2, s17  }
0x8e: {  	[smem:$0x3FC3] =	sst s2  }
0x8f: {  	_ = 	snop  }
0x90: {  	s2 =	sld [smem:$0x3FC9]  }
0x91: {  	s18 =	sld [smem:$0x3FC7];
	(tm) =	ssettm $0x1  }
0x92: {  	s4 =	sld [smem:$0x3FFB];
	_ =	sdelay $0x3  }
0x93: {  	_ =	strace s4  }
0x94: {  	s4 =	sld [smem:$0x3FFC];
	_ =	sdelay $0x3  }
0x95: {  	_ =	strace s4  }
0x96: {  	s4 =	sld [smem:$0x3FFD];
	_ =	sdelay $0x3  }
0x97: {  	_ =	strace s4  }
0x98: {  	_ =	strace $0x8FFFFFFF  }
0x99: {  	s19 =	sld [smem:$0x3FDB];
	_ =	sdelay $0x1  }
0x9a: {  	s5 =	simm.s32 $_scs_section_size  }
0x9b: {  	s6 =	simm.s32 $_size__tile_overlayer_lowered;
	s7 =	simm.s32 $_tile_overlayer_lowered  }
0x9c: {  	s22 =	simm.s32 $0x1BFF;
	s21 =	sshll.u32 s7, $0x1;
	s4 =	sadd.s32 s5, s19  }
0x9d: {  	s8 =	simm.s32 $0x0;
	s20 =	sshll.u32 s6, $0x1;
	s6 =	sadd.s32 s21, s4  }
0x9e: {  	[timem:s8], [sflag:s22] =	dma.local [hbm:s6], s20  }
0x9f: {  	_ =	swait.ge [sflag:s22], s20  }
0xa0: {  	s5 =	ssub.s32 $0x0, s20;
	[sflag:s22] =	ssyncset.done $0x0  }
0xa1: {  	[sflag:s22] =	ssyncadd.s32 s5;
	_ =	sdelay $0x1  }
0xa2: {  	s23 =	simm.s32 $0x1B8B  }
0xa3: {  	_ =	swait.ge [sflag:s23], $0x1  }
0xa4: {  	[sflag:s23] =	ssyncset.done $0x0  }
0xa5: {  	s25 =	simm.s32 $0x1B8E;
	s24 =	sld [smem:$0x3FFE];
	[sflag:s23] =	ssyncadd.s32 $0xFFFFFFFF  }
0xa6: {  	s26 =	simm.s32 $execute0_lowered;
	[smem:$0x3FD2] =	sst s25  }
0xa7: {  	s6 =	sshll.u32 s26, $0x1;
	_ =	strace $0x80000046;
	[dreg:$0x1] =	wrdreg $0xFFFFFFFF  }
0xa8: {  	s28 =	simm.s32 $_size_execute0_lowered;
	s4 =	sadd.s32 s4, s6;
	[dreg:$0x0] =	wrdreg $0x0  }
0xa9: {  	s6 =	sshll.u32 s28, $0x1;
	[dreg:$0x2] =	wrdreg s4  }
0xaa: {  	[dreg:$0x3] =	wrdreg s6  }
0xab: {  	[dreg:$0x4] =	wrdreg $0xC0  }
0xac: {  	_ =	task [dreg:s8], $0x5FFFF  }
0xad: {  	[dreg:$0x1] =	wrdreg $0xFFFFFFFF  }
0xae: {  	[dreg:$0x0] =	wrdreg $0x60  }
0xaf: {  	[dreg:$0x2] =	wrdreg s2  }
0xb0: {  	[dreg:$0x3] =	wrdreg s18  }
0xb1: {  	[dreg:$0x4] =	wrdreg s24  }
0xb2: {  	[dreg:$0x5] =	wrdreg $0x9  }
0xb3: {  	_ =	task.clear_ibuf [dreg:s8], $0x6FFFF;
	_ =	strace $0x90000046  }
0xb4: {  	s29 =	simm.s32 $0x9;
	_ =	strace $0x80000048  }
0xb5: {  	_ =	swait.ge [sflag:s29], $0x1  }
0xb6: {  	[sflag:s29] =	ssyncadd.s32 $0xFFFFFFFF  }
0xb7: {  	_ =	strace $0x90000048  }
0xb8: {  	_ =	sfence  }
0xb9: {  	s30 =	sld [smem:$0x0];
	_ =	sdelay $0x2  }
0xba: {  	s31 =	sshll.u32 s1, $0xD;
	s1 =	sshrl.u32 s1, $0x2  }
0xbb: {  	s3 =	sand.u32 $0x4000, s31;
	s1 =	sadd.s32 s1, s30  }
0xbc: {  	s0 =	sor.u32 s3, s0;
	s1 =	sshll.u32 s1, $0x11  }
0xbd: {  	s0 =	sor.u32 s1, s0  }
0xbe: {  	s0 =	sadd.s32 $0x8F2B, s0  }
0xbf: {  	[sflag:s0] =	ssyncadd.remote.s32 $0x1  }
0xc0: {  	_ =	sfence.sel $0xFFFF  }
0xc1: {  	[dreg:$0x0] =	wrdreg $0xFFFFFFFF;
	(pc) =	sbr.abs _section_cstart, $3  }
0xc2: {  	[dreg:$0x1] =	wrdreg $0xFFFFFFFF  }
0xc3: {  	_ =	task.clear_ibuf [dreg:s8], $0x2FFFF;
	_ =	strace $0x9FFFFFFF  }
0xc4: {  	(tm) =	ssettm $0x7FFFFFFF  }
0xc5: {  	_ =	shalt  }
tec
execute0_lowered:
.L_overlay_start_1:
0x0: {  	(tag) =	ssettag $0x1  }
0x1: {  	v0 =	vimm.s32 $0x2380;
	vm14 =	vcmask $0x300;
	v1 =	vimm.s32 $0x6380  }
0x2: {  	vm13 =	vcmask $0x704;
	vm12 =	vcmask $0xB08;
	vm11 =	vcmask $0xF0C  }
0x3: {  	vm10 =	vcmask $0x1310;
	vm9 =	vcmask $0x1714;
	vm8 =	vcmask $0x1B18  }
0x4: {  	vm7 =	vcmask $0x1F1C;
	vm6 =	vcmask $0x2320;
	vm5 =	vcmask $0x2724  }
0x5: {  	vm4 =	vcmask $0x2B28;
	vm3 =	vcmask $0x2F2C;
	vm2 =	vcmask $0x3330  }
0x6: {  	vm1 =	vcmask $0x3734;
	vm0 =	vcmask $0x3B38;
	v2 =	vimm.s32 $0xA380  }
0x7: {  	v3 =	vimm.s32 $0xE380;
	v4 =	vimm.s32 $0x2780;
	v5 =	vimm.s32 $0x6780  }
0x8: {  	v6 =	vimm.s32 $0xA780;
	v7 =	vimm.s32 $0xE780;
	v8 =	vimm.s32 $0x2B80  }
0x9: {  	v9 =	vimm.s32 $0x6B80;
	v10 =	vimm.s32 $0xAB80;
	v11 =	vimm.s32 $0xEB80  }
0xa: {  	v12 =	vimm.s32 $0x2F80;
	v13 =	vimm.s32 $0x6F80;
	v14 =	vimm.s32 $0xAF80  }
0xb: {  	v15 =	vimm.s32 $0xEF80;
	v16 =	vimm.s32 $0x3380;
	v17 =	vimm.s32 $0x7380  }
0xc: {  	v18 =	vimm.s32 $0xB380;
	v19 =	vimm.s32 $0xF380;
	v20 =	vimm.s32 $0x3780  }
0xd: {  	v21 =	vimm.s32 $0x7780;
	v22 =	vimm.s32 $0xB780;
	v23 =	vimm.s32 $0xF780  }
0xe: {  	v24 =	vimm.s32 $0x3B80;
	v25 =	vimm.s32 $0x7B80;
	v26 =	vimm.s32 $0xBB80  }
0xf: {  	v27 =	vimm.s32 $0xFB80;
	v28 =	vimm.s32 $0x3F80;
	v29 =	vimm.s32 $0x7F80  }
0x10: {  	v30 =	vimm.s32 $0xBF80;
	v31 =	vimm.s32 $0xFF80;
	v32 =	vimm.f32 $0.0e+00  }
0x11: {  	v0 =	vsel vm14, $0x0, v0;
	v1 =	vsel vm14, $0x4000, v1;
	v2 =	vsel vm14, $0x8000, v2  }
0x12: {  	v3 =	vsel vm14, $0xC000, v3;
	v4 =	vsel vm14, $0x400, v4;
	v5 =	vsel vm14, $0x4400, v5  }
0x13: {  	v6 =	vsel vm14, $0x8400, v6;
	v7 =	vsel vm14, $0xC400, v7;
	v8 =	vsel vm14, $0x800, v8  }
0x14: {  	v9 =	vsel vm14, $0x4800, v9;
	v10 =	vsel vm14, $0x8800, v10;
	v11 =	vsel vm14, $0xC800, v11  }
0x15: {  	v12 =	vsel vm14, $0xC00, v12;
	v13 =	vsel vm14, $0x4C00, v13;
	v14 =	vsel vm14, $0x8C00, v14  }
0x16: {  	v15 =	vsel vm14, $0xCC00, v15;
	v16 =	vsel vm14, $0x1000, v16;
	v17 =	vsel vm14, $0x5000, v17  }
0x17: {  	v18 =	vsel vm14, $0x9000, v18;
	v19 =	vsel vm14, $0xD000, v19;
	v20 =	vsel vm14, $0x1400, v20  }
0x18: {  	v21 =	vsel vm14, $0x5400, v21;
	v22 =	vsel vm14, $0x9400, v22;
	v23 =	vsel vm14, $0xD400, v23  }
0x19: {  	v24 =	vsel vm14, $0x1800, v24;
	v25 =	vsel vm14, $0x5800, v25;
	v26 =	vsel vm14, $0x9800, v26  }
0x1a: {  	v27 =	vsel vm14, $0xD800, v27;
	v28 =	vsel vm14, $0x1C00, v28;
	v29 =	vsel vm14, $0x5C00, v29  }
0x1b: {  	v30 =	vsel vm14, $0x9C00, v30;
	v31 =	vsel vm14, $0xDC00, v31;
	v0 =	vsel vm13, $0x80, v0  }
0x1c: {  	v1 =	vsel vm13, $0x4080, v1;
	v2 =	vsel vm13, $0x8080, v2;
	v3 =	vsel vm13, $0xC080, v3  }
0x1d: {  	v4 =	vsel vm13, $0x480, v4;
	v5 =	vsel vm13, $0x4480, v5;
	v6 =	vsel vm13, $0x8480, v6  }
0x1e: {  	v7 =	vsel vm13, $0xC480, v7;
	v8 =	vsel vm13, $0x880, v8;
	v9 =	vsel vm13, $0x4880, v9  }
0x1f: {  	v10 =	vsel vm13, $0x8880, v10;
	v11 =	vsel vm13, $0xC880, v11;
	v12 =	vsel vm13, $0xC80, v12  }
0x20: {  	v13 =	vsel vm13, $0x4C80, v13;
	v14 =	vsel vm13, $0x8C80, v14;
	v15 =	vsel vm13, $0xCC80, v15  }
0x21: {  	v16 =	vsel vm13, $0x1080, v16;
	v17 =	vsel vm13, $0x5080, v17;
	v18 =	vsel vm13, $0x9080, v18  }
0x22: {  	v19 =	vsel vm13, $0xD080, v19;
	v20 =	vsel vm13, $0x1480, v20;
	v21 =	vsel vm13, $0x5480, v21  }
0x23: {  	v22 =	vsel vm13, $0x9480, v22;
	v23 =	vsel vm13, $0xD480, v23;
	v24 =	vsel vm13, $0x1880, v24  }
0x24: {  	v25 =	vsel vm13, $0x5880, v25;
	v26 =	vsel vm13, $0x9880, v26;
	v27 =	vsel vm13, $0xD880, v27  }
0x25: {  	v28 =	vsel vm13, $0x1C80, v28;
	v29 =	vsel vm13, $0x5C80, v29;
	v30 =	vsel vm13, $0x9C80, v30  }
0x26: {  	v31 =	vsel vm13, $0xDC80, v31;
	v0 =	vsel vm12, $0x100, v0;
	v1 =	vsel vm12, $0x4100, v1  }
0x27: {  	v2 =	vsel vm12, $0x8100, v2;
	v3 =	vsel vm12, $0xC100, v3;
	v4 =	vsel vm12, $0x500, v4  }
0x28: {  	v5 =	vsel vm12, $0x4500, v5;
	v6 =	vsel vm12, $0x8500, v6;
	v7 =	vsel vm12, $0xC500, v7  }
0x29: {  	v8 =	vsel vm12, $0x900, v8;
	v9 =	vsel vm12, $0x4900, v9;
	v10 =	vsel vm12, $0x8900, v10  }
0x2a: {  	v11 =	vsel vm12, $0xC900, v11;
	v12 =	vsel vm12, $0xD00, v12;
	v13 =	vsel vm12, $0x4D00, v13  }
0x2b: {  	v14 =	vsel vm12, $0x8D00, v14;
	v15 =	vsel vm12, $0xCD00, v15;
	v16 =	vsel vm12, $0x1100, v16  }
0x2c: {  	v17 =	vsel vm12, $0x5100, v17;
	v18 =	vsel vm12, $0x9100, v18;
	v19 =	vsel vm12, $0xD100, v19  }
0x2d: {  	v20 =	vsel vm12, $0x1500, v20;
	v21 =	vsel vm12, $0x5500, v21;
	v22 =	vsel vm12, $0x9500, v22  }
0x2e: {  	v23 =	vsel vm12, $0xD500, v23;
	v24 =	vsel vm12, $0x1900, v24;
	v25 =	vsel vm12, $0x5900, v25  }
0x2f: {  	v26 =	vsel vm12, $0x9900, v26;
	v27 =	vsel vm12, $0xD900, v27;
	v28 =	vsel vm12, $0x1D00, v28  }
0x30: {  	v29 =	vsel vm12, $0x5D00, v29;
	v30 =	vsel vm12, $0x9D00, v30;
	v31 =	vsel vm12, $0xDD00, v31  }
0x31: {  	v0 =	vsel vm11, $0x180, v0;
	v1 =	vsel vm11, $0x4180, v1;
	v2 =	vsel vm11, $0x8180, v2  }
0x32: {  	v3 =	vsel vm11, $0xC180, v3;
	v4 =	vsel vm11, $0x580, v4;
	v5 =	vsel vm11, $0x4580, v5  }
0x33: {  	v6 =	vsel vm11, $0x8580, v6;
	v7 =	vsel vm11, $0xC580, v7;
	v8 =	vsel vm11, $0x980, v8  }
0x34: {  	v9 =	vsel vm11, $0x4980, v9;
	v10 =	vsel vm11, $0x8980, v10;
	v11 =	vsel vm11, $0xC980, v11  }
0x35: {  	v12 =	vsel vm11, $0xD80, v12;
	v13 =	vsel vm11, $0x4D80, v13;
	v14 =	vsel vm11, $0x8D80, v14  }
0x36: {  	v15 =	vsel vm11, $0xCD80, v15;
	v16 =	vsel vm11, $0x1180, v16;
	v17 =	vsel vm11, $0x5180, v17  }
0x37: {  	v18 =	vsel vm11, $0x9180, v18;
	v19 =	vsel vm11, $0xD180, v19;
	v20 =	vsel vm11, $0x1580, v20  }
0x38: {  	v21 =	vsel vm11, $0x5580, v21;
	v22 =	vsel vm11, $0x9580, v22;
	v23 =	vsel vm11, $0xD580, v23  }
0x39: {  	v24 =	vsel vm11, $0x1980, v24;
	v25 =	vsel vm11, $0x5980, v25;
	v26 =	vsel vm11, $0x9980, v26  }
0x3a: {  	v27 =	vsel vm11, $0xD980, v27;
	v28 =	vsel vm11, $0x1D80, v28;
	v29 =	vsel vm11, $0x5D80, v29  }
0x3b: {  	v30 =	vsel vm11, $0x9D80, v30;
	v31 =	vsel vm11, $0xDD80, v31;
	v0 =	vsel vm10, $0x200, v0  }
0x3c: {  	v1 =	vsel vm10, $0x4200, v1;
	v2 =	vsel vm10, $0x8200, v2;
	v3 =	vsel vm10, $0xC200, v3  }
0x3d: {  	v4 =	vsel vm10, $0x600, v4;
	v5 =	vsel vm10, $0x4600, v5;
	v6 =	vsel vm10, $0x8600, v6  }
0x3e: {  	v7 =	vsel vm10, $0xC600, v7;
	v8 =	vsel vm10, $0xA00, v8;
	v9 =	vsel vm10, $0x4A00, v9  }
0x3f: {  	v10 =	vsel vm10, $0x8A00, v10;
	v11 =	vsel vm10, $0xCA00, v11;
	v12 =	vsel vm10, $0xE00, v12  }
0x40: {  	v13 =	vsel vm10, $0x4E00, v13;
	v14 =	vsel vm10, $0x8E00, v14;
	v15 =	vsel vm10, $0xCE00, v15  }
0x41: {  	v16 =	vsel vm10, $0x1200, v16;
	v17 =	vsel vm10, $0x5200, v17;
	v18 =	vsel vm10, $0x9200, v18  }
0x42: {  	v19 =	vsel vm10, $0xD200, v19;
	v20 =	vsel vm10, $0x1600, v20;
	v21 =	vsel vm10, $0x5600, v21  }
0x43: {  	v22 =	vsel vm10, $0x9600, v22;
	v23 =	vsel vm10, $0xD600, v23;
	v24 =	vsel vm10, $0x1A00, v24  }
0x44: {  	v25 =	vsel vm10, $0x5A00, v25;
	v26 =	vsel vm10, $0x9A00, v26;
	v27 =	vsel vm10, $0xDA00, v27  }
0x45: {  	v28 =	vsel vm10, $0x1E00, v28;
	v29 =	vsel vm10, $0x5E00, v29;
	v30 =	vsel vm10, $0x9E00, v30  }
0x46: {  	v31 =	vsel vm10, $0xDE00, v31;
	v0 =	vsel vm9, $0x280, v0;
	v1 =	vsel vm9, $0x4280, v1  }
0x47: {  	v2 =	vsel vm9, $0x8280, v2;
	v3 =	vsel vm9, $0xC280, v3;
	v4 =	vsel vm9, $0x680, v4  }
0x48: {  	v5 =	vsel vm9, $0x4680, v5;
	v6 =	vsel vm9, $0x8680, v6;
	v7 =	vsel vm9, $0xC680, v7  }
0x49: {  	v8 =	vsel vm9, $0xA80, v8;
	v9 =	vsel vm9, $0x4A80, v9;
	v10 =	vsel vm9, $0x8A80, v10  }
0x4a: {  	v11 =	vsel vm9, $0xCA80, v11;
	v12 =	vsel vm9, $0xE80, v12;
	v13 =	vsel vm9, $0x4E80, v13  }
0x4b: {  	v14 =	vsel vm9, $0x8E80, v14;
	v15 =	vsel vm9, $0xCE80, v15;
	v16 =	vsel vm9, $0x1280, v16  }
0x4c: {  	v17 =	vsel vm9, $0x5280, v17;
	v18 =	vsel vm9, $0x9280, v18;
	v19 =	vsel vm9, $0xD280, v19  }
0x4d: {  	v20 =	vsel vm9, $0x1680, v20;
	v21 =	vsel vm9, $0x5680, v21;
	v22 =	vsel vm9, $0x9680, v22  }
0x4e: {  	v23 =	vsel vm9, $0xD680, v23;
	v24 =	vsel vm9, $0x1A80, v24;
	v25 =	vsel vm9, $0x5A80, v25  }
0x4f: {  	v26 =	vsel vm9, $0x9A80, v26;
	v27 =	vsel vm9, $0xDA80, v27;
	v28 =	vsel vm9, $0x1E80, v28  }
0x50: {  	v29 =	vsel vm9, $0x5E80, v29;
	v30 =	vsel vm9, $0x9E80, v30;
	v31 =	vsel vm9, $0xDE80, v31  }
0x51: {  	v0 =	vsel vm8, $0x300, v0;
	v1 =	vsel vm8, $0x4300, v1;
	v2 =	vsel vm8, $0x8300, v2  }
0x52: {  	v3 =	vsel vm8, $0xC300, v3;
	v4 =	vsel vm8, $0x700, v4;
	v5 =	vsel vm8, $0x4700, v5  }
0x53: {  	v6 =	vsel vm8, $0x8700, v6;
	v7 =	vsel vm8, $0xC700, v7;
	v8 =	vsel vm8, $0xB00, v8  }
0x54: {  	v9 =	vsel vm8, $0x4B00, v9;
	v10 =	vsel vm8, $0x8B00, v10;
	v11 =	vsel vm8, $0xCB00, v11  }
0x55: {  	v12 =	vsel vm8, $0xF00, v12;
	v13 =	vsel vm8, $0x4F00, v13;
	v14 =	vsel vm8, $0x8F00, v14  }
0x56: {  	v15 =	vsel vm8, $0xCF00, v15;
	v16 =	vsel vm8, $0x1300, v16;
	v17 =	vsel vm8, $0x5300, v17  }
0x57: {  	v18 =	vsel vm8, $0x9300, v18;
	v19 =	vsel vm8, $0xD300, v19;
	v20 =	vsel vm8, $0x1700, v20  }
0x58: {  	v21 =	vsel vm8, $0x5700, v21;
	v22 =	vsel vm8, $0x9700, v22;
	v23 =	vsel vm8, $0xD700, v23  }
0x59: {  	v24 =	vsel vm8, $0x1B00, v24;
	v25 =	vsel vm8, $0x5B00, v25;
	v26 =	vsel vm8, $0x9B00, v26  }
0x5a: {  	v27 =	vsel vm8, $0xDB00, v27;
	v28 =	vsel vm8, $0x1F00, v28;
	v29 =	vsel vm8, $0x5F00, v29  }
0x5b: {  	v30 =	vsel vm8, $0x9F00, v30;
	v31 =	vsel vm8, $0xDF00, v31;
	v0 =	vsel vm7, $0x380, v0  }
0x5c: {  	v1 =	vsel vm7, $0x4380, v1;
	v2 =	vsel vm7, $0x8380, v2;
	v3 =	vsel vm7, $0xC380, v3  }
0x5d: {  	v4 =	vsel vm7, $0x780, v4;
	v5 =	vsel vm7, $0x4780, v5;
	v6 =	vsel vm7, $0x8780, v6  }
0x5e: {  	v7 =	vsel vm7, $0xC780, v7;
	v8 =	vsel vm7, $0xB80, v8;
	v9 =	vsel vm7, $0x4B80, v9  }
0x5f: {  	v10 =	vsel vm7, $0x8B80, v10;
	v11 =	vsel vm7, $0xCB80, v11;
	v12 =	vsel vm7, $0xF80, v12  }
0x60: {  	v13 =	vsel vm7, $0x4F80, v13;
	v14 =	vsel vm7, $0x8F80, v14;
	v15 =	vsel vm7, $0xCF80, v15  }
0x61: {  	v16 =	vsel vm7, $0x1380, v16;
	v17 =	vsel vm7, $0x5380, v17;
	v18 =	vsel vm7, $0x9380, v18  }
0x62: {  	v19 =	vsel vm7, $0xD380, v19;
	v20 =	vsel vm7, $0x1780, v20;
	v21 =	vsel vm7, $0x5780, v21  }
0x63: {  	v22 =	vsel vm7, $0x9780, v22;
	v23 =	vsel vm7, $0xD780, v23;
	v24 =	vsel vm7, $0x1B80, v24  }
0x64: {  	v25 =	vsel vm7, $0x5B80, v25;
	v26 =	vsel vm7, $0x9B80, v26;
	v27 =	vsel vm7, $0xDB80, v27  }
0x65: {  	v28 =	vsel vm7, $0x1F80, v28;
	v29 =	vsel vm7, $0x5F80, v29;
	v30 =	vsel vm7, $0x9F80, v30  }
0x66: {  	v31 =	vsel vm7, $0xDF80, v31;
	v0 =	vsel vm6, $0x2000, v0;
	v1 =	vsel vm6, $0x6000, v1  }
0x67: {  	v2 =	vsel vm6, $0xA000, v2;
	v3 =	vsel vm6, $0xE000, v3;
	v4 =	vsel vm6, $0x2400, v4  }
0x68: {  	v5 =	vsel vm6, $0x6400, v5;
	v6 =	vsel vm6, $0xA400, v6;
	v7 =	vsel vm6, $0xE400, v7  }
0x69: {  	v8 =	vsel vm6, $0x2800, v8;
	v9 =	vsel vm6, $0x6800, v9;
	v10 =	vsel vm6, $0xA800, v10  }
0x6a: {  	v11 =	vsel vm6, $0xE800, v11;
	v12 =	vsel vm6, $0x2C00, v12;
	v13 =	vsel vm6, $0x6C00, v13  }
0x6b: {  	v14 =	vsel vm6, $0xAC00, v14;
	v15 =	vsel vm6, $0xEC00, v15;
	v16 =	vsel vm6, $0x3000, v16  }
0x6c: {  	v17 =	vsel vm6, $0x7000, v17;
	v18 =	vsel vm6, $0xB000, v18;
	v19 =	vsel vm6, $0xF000, v19  }
0x6d: {  	v20 =	vsel vm6, $0x3400, v20;
	v21 =	vsel vm6, $0x7400, v21;
	v22 =	vsel vm6, $0xB400, v22  }
0x6e: {  	v23 =	vsel vm6, $0xF400, v23;
	v24 =	vsel vm6, $0x3800, v24;
	v25 =	vsel vm6, $0x7800, v25  }
0x6f: {  	v26 =	vsel vm6, $0xB800, v26;
	v27 =	vsel vm6, $0xF800, v27;
	v28 =	vsel vm6, $0x3C00, v28  }
0x70: {  	v29 =	vsel vm6, $0x7C00, v29;
	v30 =	vsel vm6, $0xBC00, v30;
	v31 =	vsel vm6, $0xFC00, v31  }
0x71: {  	v0 =	vsel vm5, $0x2080, v0;
	v1 =	vsel vm5, $0x6080, v1;
	v2 =	vsel vm5, $0xA080, v2  }
0x72: {  	v3 =	vsel vm5, $0xE080, v3;
	v4 =	vsel vm5, $0x2480, v4;
	v5 =	vsel vm5, $0x6480, v5  }
0x73: {  	v6 =	vsel vm5, $0xA480, v6;
	v7 =	vsel vm5, $0xE480, v7;
	v8 =	vsel vm5, $0x2880, v8  }
0x74: {  	v9 =	vsel vm5, $0x6880, v9;
	v10 =	vsel vm5, $0xA880, v10;
	v11 =	vsel vm5, $0xE880, v11  }
0x75: {  	v12 =	vsel vm5, $0x2C80, v12;
	v13 =	vsel vm5, $0x6C80, v13;
	v14 =	vsel vm5, $0xAC80, v14  }
0x76: {  	v15 =	vsel vm5, $0xEC80, v15;
	v16 =	vsel vm5, $0x3080, v16;
	v17 =	vsel vm5, $0x7080, v17  }
0x77: {  	v18 =	vsel vm5, $0xB080, v18;
	v19 =	vsel vm5, $0xF080, v19;
	v20 =	vsel vm5, $0x3480, v20  }
0x78: {  	v21 =	vsel vm5, $0x7480, v21;
	v22 =	vsel vm5, $0xB480, v22;
	v23 =	vsel vm5, $0xF480, v23  }
0x79: {  	v24 =	vsel vm5, $0x3880, v24;
	v25 =	vsel vm5, $0x7880, v25;
	v26 =	vsel vm5, $0xB880, v26  }
0x7a: {  	v27 =	vsel vm5, $0xF880, v27;
	v28 =	vsel vm5, $0x3C80, v28;
	v29 =	vsel vm5, $0x7C80, v29  }
0x7b: {  	v30 =	vsel vm5, $0xBC80, v30;
	v31 =	vsel vm5, $0xFC80, v31;
	v0 =	vsel vm4, $0x2100, v0  }
0x7c: {  	v1 =	vsel vm4, $0x6100, v1;
	v2 =	vsel vm4, $0xA100, v2;
	v3 =	vsel vm4, $0xE100, v3  }
0x7d: {  	v4 =	vsel vm4, $0x2500, v4;
	v5 =	vsel vm4, $0x6500, v5;
	v6 =	vsel vm4, $0xA500, v6  }
0x7e: {  	v7 =	vsel vm4, $0xE500, v7;
	v8 =	vsel vm4, $0x2900, v8;
	v9 =	vsel vm4, $0x6900, v9  }
0x7f: {  	v10 =	vsel vm4, $0xA900, v10;
	v11 =	vsel vm4, $0xE900, v11;
	v12 =	vsel vm4, $0x2D00, v12  }
0x80: {  	v13 =	vsel vm4, $0x6D00, v13;
	v14 =	vsel vm4, $0xAD00, v14;
	v15 =	vsel vm4, $0xED00, v15  }
0x81: {  	v16 =	vsel vm4, $0x3100, v16;
	v17 =	vsel vm4, $0x7100, v17;
	v18 =	vsel vm4, $0xB100, v18  }
0x82: {  	v19 =	vsel vm4, $0xF100, v19;
	v20 =	vsel vm4, $0x3500, v20;
	v21 =	vsel vm4, $0x7500, v21  }
0x83: {  	v22 =	vsel vm4, $0xB500, v22;
	v23 =	vsel vm4, $0xF500, v23;
	v24 =	vsel vm4, $0x3900, v24  }
0x84: {  	v25 =	vsel vm4, $0x7900, v25;
	v26 =	vsel vm4, $0xB900, v26;
	v27 =	vsel vm4, $0xF900, v27  }
0x85: {  	v28 =	vsel vm4, $0x3D00, v28;
	v29 =	vsel vm4, $0x7D00, v29;
	v30 =	vsel vm4, $0xBD00, v30  }
0x86: {  	v31 =	vsel vm4, $0xFD00, v31;
	v0 =	vsel vm3, $0x2180, v0;
	v1 =	vsel vm3, $0x6180, v1  }
0x87: {  	v2 =	vsel vm3, $0xA180, v2;
	v3 =	vsel vm3, $0xE180, v3;
	v4 =	vsel vm3, $0x2580, v4  }
0x88: {  	v5 =	vsel vm3, $0x6580, v5;
	v6 =	vsel vm3, $0xA580, v6;
	v7 =	vsel vm3, $0xE580, v7  }
0x89: {  	v8 =	vsel vm3, $0x2980, v8;
	v9 =	vsel vm3, $0x6980, v9;
	v10 =	vsel vm3, $0xA980, v10  }
0x8a: {  	v11 =	vsel vm3, $0xE980, v11;
	v12 =	vsel vm3, $0x2D80, v12;
	v13 =	vsel vm3, $0x6D80, v13  }
0x8b: {  	v14 =	vsel vm3, $0xAD80, v14;
	v15 =	vsel vm3, $0xED80, v15;
	v16 =	vsel vm3, $0x3180, v16  }
0x8c: {  	v17 =	vsel vm3, $0x7180, v17;
	v18 =	vsel vm3, $0xB180, v18;
	v19 =	vsel vm3, $0xF180, v19  }
0x8d: {  	v20 =	vsel vm3, $0x3580, v20;
	v21 =	vsel vm3, $0x7580, v21;
	v22 =	vsel vm3, $0xB580, v22  }
0x8e: {  	v23 =	vsel vm3, $0xF580, v23;
	v24 =	vsel vm3, $0x3980, v24;
	v25 =	vsel vm3, $0x7980, v25  }
0x8f: {  	v26 =	vsel vm3, $0xB980, v26;
	v27 =	vsel vm3, $0xF980, v27;
	v28 =	vsel vm3, $0x3D80, v28  }
0x90: {  	v29 =	vsel vm3, $0x7D80, v29;
	v30 =	vsel vm3, $0xBD80, v30;
	v31 =	vsel vm3, $0xFD80, v31  }
0x91: {  	v0 =	vsel vm2, $0x2200, v0;
	v1 =	vsel vm2, $0x6200, v1;
	v2 =	vsel vm2, $0xA200, v2  }
0x92: {  	v3 =	vsel vm2, $0xE200, v3;
	v4 =	vsel vm2, $0x2600, v4;
	v5 =	vsel vm2, $0x6600, v5  }
0x93: {  	v6 =	vsel vm2, $0xA600, v6;
	v7 =	vsel vm2, $0xE600, v7;
	v8 =	vsel vm2, $0x2A00, v8  }
0x94: {  	v9 =	vsel vm2, $0x6A00, v9;
	v10 =	vsel vm2, $0xAA00, v10;
	v11 =	vsel vm2, $0xEA00, v11  }
0x95: {  	v12 =	vsel vm2, $0x2E00, v12;
	v13 =	vsel vm2, $0x6E00, v13;
	v14 =	vsel vm2, $0xAE00, v14  }
0x96: {  	v15 =	vsel vm2, $0xEE00, v15;
	v16 =	vsel vm2, $0x3200, v16;
	v17 =	vsel vm2, $0x7200, v17  }
0x97: {  	v18 =	vsel vm2, $0xB200, v18;
	v19 =	vsel vm2, $0xF200, v19;
	v20 =	vsel vm2, $0x3600, v20  }
0x98: {  	v21 =	vsel vm2, $0x7600, v21;
	v22 =	vsel vm2, $0xB600, v22;
	v23 =	vsel vm2, $0xF600, v23  }
0x99: {  	v24 =	vsel vm2, $0x3A00, v24;
	v25 =	vsel vm2, $0x7A00, v25;
	v26 =	vsel vm2, $0xBA00, v26  }
0x9a: {  	v27 =	vsel vm2, $0xFA00, v27;
	v28 =	vsel vm2, $0x3E00, v28;
	v29 =	vsel vm2, $0x7E00, v29  }
0x9b: {  	v30 =	vsel vm2, $0xBE00, v30;
	v31 =	vsel vm2, $0xFE00, v31;
	v0 =	vsel vm1, $0x2280, v0  }
0x9c: {  	v1 =	vsel vm1, $0x6280, v1;
	v2 =	vsel vm1, $0xA280, v2;
	v3 =	vsel vm1, $0xE280, v3  }
0x9d: {  	v4 =	vsel vm1, $0x2680, v4;
	v5 =	vsel vm1, $0x6680, v5;
	v6 =	vsel vm1, $0xA680, v6  }
0x9e: {  	v7 =	vsel vm1, $0xE680, v7;
	v8 =	vsel vm1, $0x2A80, v8;
	v9 =	vsel vm1, $0x6A80, v9  }
0x9f: {  	v10 =	vsel vm1, $0xAA80, v10;
	v11 =	vsel vm1, $0xEA80, v11;
	v12 =	vsel vm1, $0x2E80, v12  }
0xa0: {  	v13 =	vsel vm1, $0x6E80, v13;
	v14 =	vsel vm1, $0xAE80, v14;
	v15 =	vsel vm1, $0xEE80, v15  }
0xa1: {  	v16 =	vsel vm1, $0x3280, v16;
	v17 =	vsel vm1, $0x7280, v17;
	v18 =	vsel vm1, $0xB280, v18  }
0xa2: {  	v19 =	vsel vm1, $0xF280, v19;
	v20 =	vsel vm1, $0x3680, v20;
	v21 =	vsel vm1, $0x7680, v21  }
0xa3: {  	v22 =	vsel vm1, $0xB680, v22;
	v23 =	vsel vm1, $0xF680, v23;
	v24 =	vsel vm1, $0x3A80, v24  }
0xa4: {  	s1 =	rddreg [dreg:$0x0];
	v25 =	vsel vm1, $0x7A80, v25;
	v26 =	vsel vm1, $0xBA80, v26;
	v27 =	vsel vm1, $0xFA80, v27  }
0xa5: {  	s0 =	rddreg [dreg:$0x1];
	v28 =	vsel vm1, $0x3E80, v28;
	v29 =	vsel vm1, $0x7E80, v29;
	v30 =	vsel vm1, $0xBE80, v30  }
0xa6: {  	s2 =	rddreg [dreg:$0x2];
	s4 =	srdreg.scid;
	v31 =	vsel vm1, $0xFE80, v31;
	v0 =	vsel vm0, $0x2300, v0;
	v1 =	vsel vm0, $0x6300, v1  }
0xa7: {  	s3 =	simm.s32 $0x0;
	s6 =	stileid.u32;
	s9 =	simm.s32 $0x9;
	v2 =	vsel vm0, $0xA300, v2;
	v3 =	vsel vm0, $0xE300, v3;
	v4 =	vsel vm0, $0x2700, v4  }
0xa8: {  	s11 =	simm.s32 $0x80;
	s12 =	simm.s32 $0x2;
	s13 =	simm.s32 $0x3;
	v5 =	vsel vm0, $0x6700, v5;
	v6 =	vsel vm0, $0xA700, v6;
	v7 =	vsel vm0, $0xE700, v7  }
0xa9: {  	s14 =	simm.s32 $0x4;
	s15 =	simm.s32 $0x5;
	s16 =	simm.s32 $0x6;
	v8 =	vsel vm0, $0x2B00, v8;
	v9 =	vsel vm0, $0x6B00, v9;
	v10 =	vsel vm0, $0xAB00, v10  }
0xaa: {  	s17 =	simm.s32 $0x7;
	s18 =	simm.s32 $0x8;
	s4 =	sand.u32 $0x1, s4;
	v11 =	vsel vm0, $0xEB00, v11;
	v12 =	vsel vm0, $0x2F00, v12;
	v13 =	vsel vm0, $0x6F00, v13  }
0xab: {  	[smem:$0x7FF] =	sst s3;
	s6 =	sshll.u32 s6, $0x1;
	s5 =	ssub.s32 $0x2, s4;
	v14 =	vsel vm0, $0xAF00, v14;
	v15 =	vsel vm0, $0xEF00, v15;
	v16 =	vsel vm0, $0x3300, v16  }
.Ltmp0:
0xac: {  	_ =	strace $0x80000047;
	s6 =	sor.u32 s4, s6;
	v17 =	vsel vm0, $0x7300, v17;
	v18 =	vsel vm0, $0xB300, v18;
	v19 =	vsel vm0, $0xF300, v19;
	(pc) =	sbr.rel .LBB2_1-.Ltmp0, $4  }
0xad: {  	s4 =	sadd.s32 $0xA00, s2;
	s2 =	simm.s32 $0x10080;
	s31 =	sshll.u32 s6, $0x4;
	v20 =	vsel vm0, $0x3700, v20;
	v21 =	vsel vm0, $0x7700, v21;
	v22 =	vsel vm0, $0xB700, v22  }
0xae: {  	s7 =	sshrl.u32 s5, $0x1;
	s1 =	sadd.s32 s1, s6;
	[dreg:$0x4] =	wrdreg s31;
	v23 =	vsel vm0, $0xF700, v23;
	v24 =	vsel vm0, $0x3B00, v24;
	v25 =	vsel vm0, $0x7B00, v25  }
0xaf: {  	s30 =	ssub.s32 s5, s7;
	s5 =	sor.u32 $0x180, s31;
	[dreg:$0x6] =	wrdreg s1;
	v26 =	vsel vm0, $0xBB00, v26;
	v27 =	vsel vm0, $0xFB00, v27;
	v28 =	vsel vm0, $0x3F00, v28  }
0xb0: {  	p0 =	sgt.u32 s6, $0x18;
	[dreg:$0x5] =	wrdreg s5;
	s8 =	smax.u32 s30, $0x1;
	v29 =	vsel vm0, $0x7F00, v29;
	v30 =	vsel vm0, $0xBF00, v30;
	v31 =	vsel vm0, $0xFF00, v31  }
.LBB2_3:
0xb1: {  	[tilespmem:$0x10080] =	vst v32  }
0xb2: {  	[tilespmem:$0x10090] =	vst v32  }
0xb3: {  	[tilespmem:$0x100A0] =	vst v32  }
0xb4: {  	[tilespmem:$0x100B0] =	vst v32;
	s1 =	rddreg [dreg:$0x5]  }
.LBB2_4:
0xb5: {  	s8 =	sadd.s32 $0xFFFFFFFF, s8  }
0xb6: {  	p1 =	sne.s32 s8, $0x0  }
.Ltmp1:
0xb7: {  	s1 =	sadd.s32 s4, s1;
	(pc) =	sbr.rel @!p1 .LBB2_5-.Ltmp1, $4  }
0xb8: {  	[hbm4b:s1+s3] =	stream.linear.scatter [tilespmem:s2], [sflag:$0x9], $0x80, $0x38;
	[tilespmem:$0x10100] =	vst v63  }
0xb9: {  	_ =	swait.ge [sflag:s9], $0x80  }
0xba: {  	[sflag:s9] =	ssyncset.done $0x0  }
0xbb: {  	[sflag:s9] =	ssyncadd.s32 $0xFFFFFF80  }
.LBB2_1:
.Ltmp2:
0xbc: {  	(pc) =	sbr.rel @p0 .LBB2_3-.Ltmp2, $1  }
0xbd: {  	_ =	sdelay $0x3  }
0xbe: {  	s1 =	rddreg [dreg:$0x6]  }
0xbf: {  	[tilespmem:s3], [sflag:$0x9] =	stream.linear.gather [hbm4b:s1+s3], $0x8, $0x38;
	[tilespmem:$0x10100] =	vst v63  }
0xc0: {  	_ =	swait.ge [sflag:s9], $0x8  }
0xc1: {  	[sflag:s9] =	ssyncset.done $0x0  }
0xc2: {  	[sflag:s9] =	ssyncadd.s32 $0xFFFFFFF8  }
0xc3: {  	v33 =	vld [tilespmem:$0x0];
	_ =	sdelay $0x4  }
0xc4: {  	(v2sf) =	vpush v33, $0x0;
	_ =	sdelay $0xe  }
0xc5: {  	s20 =	spop (v2sf)  }
0xc6: {  	s5 =	sshra.s32 s20, $0x1F  }
0xc7: {  	s1 =	sshrl.u32 s5, $0x19  }
0xc8: {  	s1 =	sadd.s32 s1, s20  }
0xc9: {  	s2 =	sand.u32 $0xFFFFFF80, s1  }
0xca: {  	p1 =	slt.s32 s20, $0x1;
	p2 =	sne.s32 s20, s2  }
0xcb: {  	p1 =	por !p1, !p2  }
0xcc: {  	s2 =	simm.s32 $0x1;
	p1 =	por !p1, !p1  }
0xcd: {  	s1 =	sshrl.u32 s1, $0x7;
	s2 =	simm.s32 @!p1 $0x0  }
0xce: {  	(v2sf) =	vpush v33, $0x1;
	s1 =	ssub.s32 s1, s2  }
0xcf: {  	s1 =	sshll.u32 s1, $0x7  }
0xd0: {  	s1 =	sand.u32 $0x1FFFFF80, s1  }
0xd1: {  	s1 =	sadd.s32 s0, s1  }
0xd2: {  	[tilespmem:s11], [sflag:$0x1] =	stream.linear.gather [hbm4b:s1+s3], $0x400, $0x38;
	[tilespmem:$0x10100] =	vst v63  }
0xd3: {  	s5 =	simm.s32 $0x2080;
	s6 =	sadd.s32 $0xF4280, s1  }
0xd4: {  	[tilespmem:s5], [sflag:$0x1] =	stream.linear.gather [hbm4b:s6+s3], $0x400, $0x38;
	[tilespmem:$0x10100] =	vst v63  }
0xd5: {  	s10 =	simm.s32 $0x4080;
	s7 =	sadd.s32 $0x1E8500, s1  }
0xd6: {  	[tilespmem:s10], [sflag:$0x1] =	stream.linear.gather [hbm4b:s7+s3], $0x400, $0x38;
	[tilespmem:$0x10100] =	vst v63  }
0xd7: {  	s21 =	simm.s32 $0x6080;
	s19 =	sadd.s32 $0x2DC780, s1  }
0xd8: {  	[tilespmem:s21], [sflag:$0x1] =	stream.linear.gather [hbm4b:s19+s3], $0x400, $0x38;
	[tilespmem:$0x10100] =	vst v63  }
0xd9: {  	s23 =	simm.s32 $0x8080;
	s22 =	sadd.s32 $0x3D0A00, s1  }
0xda: {  	[tilespmem:s23], [sflag:$0x1] =	stream.linear.gather [hbm4b:s22+s3], $0x400, $0x38;
	[tilespmem:$0x10100] =	vst v63  }
0xdb: {  	s25 =	simm.s32 $0xA080;
	s24 =	sadd.s32 $0x4C4C80, s1  }
0xdc: {  	[tilespmem:s25], [sflag:$0x1] =	stream.linear.gather [hbm4b:s24+s3], $0x400, $0x38;
	[tilespmem:$0x10100] =	vst v63  }
0xdd: {  	s28 =	simm.s32 $0xC080;
	s26 =	sadd.s32 $0x5B8F00, s1;
	s21 =	spop (v2sf)  }
0xde: {  	[tilespmem:s28], [sflag:$0x1] =	stream.linear.gather [hbm4b:s26+s3], $0x400, $0x38;
	[tilespmem:$0x10100] =	vst v63  }
0xdf: {  	s29 =	simm.s32 $0xE080;
	s1 =	sadd.s32 $0x6AD180, s1;
	s30 =	sshra.s32 s21, $0x1F  }
0xe0: {  	[tilespmem:s29], [sflag:$0x1] =	stream.linear.gather [hbm4b:s1+s3], $0x400, $0x38;
	[tilespmem:$0x10100] =	vst v63  }
0xe1: {  	s1 =	sshrl.u32 s30, $0x19  }
0xe2: {  	s1 =	sadd.s32 s1, s21  }
0xe3: {  	s22 =	sand.u32 $0xFFFFFF80, s1  }
0xe4: {  	p5 =	slt.s32 s21, $0x1;
	p6 =	sne.s32 s21, s22  }
0xe5: {  	p1 =	por !p5, !p6  }
0xe6: {  	s2 =	simm.s32 $0x1;
	p1 =	por !p1, !p1  }
0xe7: {  	s1 =	sshrl.u32 s1, $0x7;
	s2 =	simm.s32 @!p1 $0x0  }
0xe8: {  	(v2sf) =	vpush v33, $0x2;
	s1 =	ssub.s32 s1, s2  }
0xe9: {  	s1 =	sshll.u32 s1, $0x7  }
0xea: {  	s1 =	sand.u32 $0x1FFFFF80, s1  }
0xeb: {  	s31 =	simm.s32 $0x480;
	s1 =	sadd.s32 s0, s1  }
0xec: {  	[tilespmem:s31], [sflag:$0x2] =	stream.linear.gather [hbm4b:s1+s3], $0x400, $0x38;
	[tilespmem:$0x10100] =	vst v63  }
0xed: {  	s6 =	simm.s32 $0x2480;
	s5 =	sadd.s32 $0xF4280, s1  }
0xee: {  	[tilespmem:s6], [sflag:$0x2] =	stream.linear.gather [hbm4b:s5+s3], $0x400, $0x38;
	[tilespmem:$0x10100] =	vst v63  }
0xef: {  	s10 =	simm.s32 $0x4480;
	s7 =	sadd.s32 $0x1E8500, s1  }
0xf0: {  	[tilespmem:s10], [sflag:$0x2] =	stream.linear.gather [hbm4b:s7+s3], $0x400, $0x38;
	[tilespmem:$0x10100] =	vst v63  }
0xf1: {  	s23 =	simm.s32 $0x6480;
	s19 =	sadd.s32 $0x2DC780, s1  }
0xf2: {  	[tilespmem:s23], [sflag:$0x2] =	stream.linear.gather [hbm4b:s19+s3], $0x400, $0x38;
	[tilespmem:$0x10100] =	vst v63  }
0xf3: {  	s25 =	simm.s32 $0x8480;
	s24 =	sadd.s32 $0x3D0A00, s1  }
0xf4: {  	[tilespmem:s25], [sflag:$0x2] =	stream.linear.gather [hbm4b:s24+s3], $0x400, $0x38;
	[tilespmem:$0x10100] =	vst v63  }
0xf5: {  	s28 =	simm.s32 $0xA480;
	s26 =	sadd.s32 $0x4C4C80, s1  }
0xf6: {  	[tilespmem:s28], [sflag:$0x2] =	stream.linear.gather [hbm4b:s26+s3], $0x400, $0x38;
	[tilespmem:$0x10100] =	vst v63  }
0xf7: {  	s30 =	simm.s32 $0xC480;
	s29 =	sadd.s32 $0x5B8F00, s1;
	s23 =	spop (v2sf)  }
0xf8: {  	[tilespmem:s30], [sflag:$0x2] =	stream.linear.gather [hbm4b:s29+s3], $0x400, $0x38;
	[tilespmem:$0x10100] =	vst v63  }
0xf9: {  	s1 =	sadd.s32 $0x6AD180, s1;
	s31 =	simm.s32 $0xE480;
	s2 =	sshra.s32 s23, $0x1F  }
0xfa: {  	[tilespmem:s31], [sflag:$0x2] =	stream.linear.gather [hbm4b:s1+s3], $0x400, $0x38;
	[tilespmem:$0x10100] =	vst v63  }
0xfb: {  	s1 =	sshrl.u32 s2, $0x19  }
0xfc: {  	s1 =	sadd.s32 s1, s23  }
0xfd: {  	s24 =	sand.u32 $0xFFFFFF80, s1  }
0xfe: {  	p3 =	slt.s32 s23, $0x1;
	p4 =	sne.s32 s23, s24  }
0xff: {  	p1 =	por !p3, !p4  }
0x100: {  	s2 =	simm.s32 $0x1;
	p1 =	por !p1, !p1  }
0x101: {  	s1 =	sshrl.u32 s1, $0x7;
	s2 =	simm.s32 @!p1 $0x0  }
0x102: {  	(v2sf) =	vpush v33, $0x3;
	s1 =	ssub.s32 s1, s2  }
0x103: {  	s1 =	sshll.u32 s1, $0x7  }
0x104: {  	s1 =	sand.u32 $0x1FFFFF80, s1  }
0x105: {  	s5 =	simm.s32 $0x880;
	s1 =	sadd.s32 s0, s1  }
0x106: {  	[tilespmem:s5], [sflag:$0x3] =	stream.linear.gather [hbm4b:s1+s3], $0x400, $0x38;
	[tilespmem:$0x10100] =	vst v63  }
0x107: {  	s7 =	simm.s32 $0x2880;
	s6 =	sadd.s32 $0xF4280, s1  }
0x108: {  	[tilespmem:s7], [sflag:$0x3] =	stream.linear.gather [hbm4b:s6+s3], $0x400, $0x38;
	[tilespmem:$0x10100] =	vst v63  }
0x109: {  	s19 =	simm.s32 $0x4880;
	s10 =	sadd.s32 $0x1E8500, s1  }
0x10a: {  	[tilespmem:s19], [sflag:$0x3] =	stream.linear.gather [hbm4b:s10+s3], $0x400, $0x38;
	[tilespmem:$0x10100] =	vst v63  }
0x10b: {  	s26 =	simm.s32 $0x6880;
	s25 =	sadd.s32 $0x2DC780, s1  }
0x10c: {  	[tilespmem:s26], [sflag:$0x3] =	stream.linear.gather [hbm4b:s25+s3], $0x400, $0x38;
	[tilespmem:$0x10100] =	vst v63  }
0x10d: {  	s29 =	simm.s32 $0x8880;
	s28 =	sadd.s32 $0x3D0A00, s1  }
0x10e: {  	[tilespmem:s29], [sflag:$0x3] =	stream.linear.gather [hbm4b:s28+s3], $0x400, $0x38;
	[tilespmem:$0x10100] =	vst v63  }
0x10f: {  	s31 =	simm.s32 $0xA880;
	s30 =	sadd.s32 $0x4C4C80, s1  }
0x110: {  	[tilespmem:s31], [sflag:$0x3] =	stream.linear.gather [hbm4b:s30+s3], $0x400, $0x38;
	[tilespmem:$0x10100] =	vst v63  }
0x111: {  	s5 =	sadd.s32 $0x5B8F00, s1;
	s6 =	simm.s32 $0xC880;
	s25 =	spop (v2sf)  }
0x112: {  	[tilespmem:s6], [sflag:$0x3] =	stream.linear.gather [hbm4b:s5+s3], $0x400, $0x38;
	[tilespmem:$0x10100] =	vst v63  }
0x113: {  	s1 =	sadd.s32 $0x6AD180, s1;
	s7 =	simm.s32 $0xE880;
	s10 =	sshra.s32 s25, $0x1F  }
0x114: {  	[tilespmem:s7], [sflag:$0x3] =	stream.linear.gather [hbm4b:s1+s3], $0x400, $0x38;
	[tilespmem:$0x10100] =	vst v63  }
0x115: {  	s1 =	sshrl.u32 s10, $0x19  }
0x116: {  	s1 =	sadd.s32 s1, s25  }
0x117: {  	s26 =	sand.u32 $0xFFFFFF80, s1  }
0x118: {  	p5 =	slt.s32 s25, $0x1;
	p6 =	sne.s32 s25, s26  }
0x119: {  	p1 =	por !p5, !p6  }
0x11a: {  	s2 =	simm.s32 $0x1;
	p1 =	por !p1, !p1  }
0x11b: {  	s1 =	sshrl.u32 s1, $0x7;
	s2 =	simm.s32 @!p1 $0x0  }
0x11c: {  	(v2sf) =	vpush v33, $0x4;
	s1 =	ssub.s32 s1, s2  }
0x11d: {  	s1 =	sshll.u32 s1, $0x7  }
0x11e: {  	s1 =	sand.u32 $0x1FFFFF80, s1  }
0x11f: {  	s19 =	simm.s32 $0xC80;
	s1 =	sadd.s32 s0, s1  }
0x120: {  	[tilespmem:s19], [sflag:$0x4] =	stream.linear.gather [hbm4b:s1+s3], $0x400, $0x38;
	[tilespmem:$0x10100] =	vst v63  }
0x121: {  	s29 =	simm.s32 $0x2C80;
	s28 =	sadd.s32 $0xF4280, s1  }
0x122: {  	[tilespmem:s29], [sflag:$0x4] =	stream.linear.gather [hbm4b:s28+s3], $0x400, $0x38;
	[tilespmem:$0x10100] =	vst v63  }
0x123: {  	s31 =	simm.s32 $0x4C80;
	s30 =	sadd.s32 $0x1E8500, s1  }
0x124: {  	[tilespmem:s31], [sflag:$0x4] =	stream.linear.gather [hbm4b:s30+s3], $0x400, $0x38;
	[tilespmem:$0x10100] =	vst v63  }
0x125: {  	s6 =	simm.s32 $0x6C80;
	s5 =	sadd.s32 $0x2DC780, s1  }
0x126: {  	[tilespmem:s6], [sflag:$0x4] =	stream.linear.gather [hbm4b:s5+s3], $0x400, $0x38;
	[tilespmem:$0x10100] =	vst v63  }
0x127: {  	s10 =	simm.s32 $0x8C80;
	s7 =	sadd.s32 $0x3D0A00, s1  }
0x128: {  	[tilespmem:s10], [sflag:$0x4] =	stream.linear.gather [hbm4b:s7+s3], $0x400, $0x38;
	[tilespmem:$0x10100] =	vst v63  }
0x129: {  	s19 =	sadd.s32 $0x4C4C80, s1;
	s28 =	simm.s32 $0xAC80  }
0x12a: {  	[tilespmem:s28], [sflag:$0x4] =	stream.linear.gather [hbm4b:s19+s3], $0x400, $0x38;
	[tilespmem:$0x10100] =	vst v63  }
0x12b: {  	s29 =	sadd.s32 $0x5B8F00, s1;
	s30 =	simm.s32 $0xCC80;
	s28 =	spop (v2sf)  }
0x12c: {  	[tilespmem:s30], [sflag:$0x4] =	stream.linear.gather [hbm4b:s29+s3], $0x400, $0x38;
	[tilespmem:$0x10100] =	vst v63  }
0x12d: {  	s1 =	sadd.s32 $0x6AD180, s1;
	s31 =	simm.s32 $0xEC80;
	s2 =	sshra.s32 s28, $0x1F  }
0x12e: {  	[tilespmem:s31], [sflag:$0x4] =	stream.linear.gather [hbm4b:s1+s3], $0x400, $0x38;
	[tilespmem:$0x10100] =	vst v63  }
0x12f: {  	s1 =	sshrl.u32 s2, $0x19  }
0x130: {  	s1 =	sadd.s32 s1, s28  }
0x131: {  	s29 =	sand.u32 $0xFFFFFF80, s1  }
0x132: {  	p3 =	slt.s32 s28, $0x1;
	p4 =	sne.s32 s28, s29  }
0x133: {  	p1 =	por !p3, !p4  }
0x134: {  	s2 =	simm.s32 $0x1;
	p1 =	por !p1, !p1  }
0x135: {  	s1 =	sshrl.u32 s1, $0x7;
	s2 =	simm.s32 @!p1 $0x0  }
0x136: {  	s1 =	ssub.s32 s1, s2  }
0x137: {  	s1 =	sshll.u32 s1, $0x7  }
0x138: {  	(v2sf) =	vpush v33, $0x5;
	s1 =	sand.u32 $0x1FFFFF80, s1  }
0x139: {  	s5 =	simm.s32 $0x1080;
	s1 =	sadd.s32 s0, s1  }
0x13a: {  	[tilespmem:s5], [sflag:$0x5] =	stream.linear.gather [hbm4b:s1+s3], $0x400, $0x38;
	[tilespmem:$0x10100] =	vst v63  }
0x13b: {  	s7 =	simm.s32 $0x3080;
	s6 =	sadd.s32 $0xF4280, s1  }
0x13c: {  	[tilespmem:s7], [sflag:$0x5] =	stream.linear.gather [hbm4b:s6+s3], $0x400, $0x38;
	[tilespmem:$0x10100] =	vst v63  }
0x13d: {  	s19 =	simm.s32 $0x5080;
	s10 =	sadd.s32 $0x1E8500, s1  }
0x13e: {  	[tilespmem:s19], [sflag:$0x5] =	stream.linear.gather [hbm4b:s10+s3], $0x400, $0x38;
	[tilespmem:$0x10100] =	vst v63  }
0x13f: {  	s31 =	simm.s32 $0x7080;
	s30 =	sadd.s32 $0x2DC780, s1  }
0x140: {  	[tilespmem:s31], [sflag:$0x5] =	stream.linear.gather [hbm4b:s30+s3], $0x400, $0x38;
	[tilespmem:$0x10100] =	vst v63  }
0x141: {  	s5 =	sadd.s32 $0x3D0A00, s1;
	s6 =	simm.s32 $0x9080  }
0x142: {  	[tilespmem:s6], [sflag:$0x5] =	stream.linear.gather [hbm4b:s5+s3], $0x400, $0x38;
	[tilespmem:$0x10100] =	vst v63  }
0x143: {  	s7 =	sadd.s32 $0x4C4C80, s1;
	s10 =	simm.s32 $0xB080  }
0x144: {  	[tilespmem:s10], [sflag:$0x5] =	stream.linear.gather [hbm4b:s7+s3], $0x400, $0x38;
	[tilespmem:$0x10100] =	vst v63  }
0x145: {  	s19 =	sadd.s32 $0x5B8F00, s1;
	s30 =	simm.s32 $0xD080  }
0x146: {  	[tilespmem:s30], [sflag:$0x5] =	stream.linear.gather [hbm4b:s19+s3], $0x400, $0x38;
	[tilespmem:$0x10100] =	vst v63  }
0x147: {  	s30 =	spop (v2sf)  }
0x148: {  	s1 =	sadd.s32 $0x6AD180, s1;
	s31 =	simm.s32 $0xF080;
	s2 =	sshra.s32 s30, $0x1F  }
0x149: {  	[tilespmem:s31], [sflag:$0x5] =	stream.linear.gather [hbm4b:s1+s3], $0x400, $0x38;
	[tilespmem:$0x10100] =	vst v63  }
0x14a: {  	s1 =	sshrl.u32 s2, $0x19  }
0x14b: {  	s1 =	sadd.s32 s1, s30  }
0x14c: {  	s31 =	sand.u32 $0xFFFFFF80, s1  }
0x14d: {  	p5 =	slt.s32 s30, $0x1;
	p6 =	sne.s32 s30, s31  }
0x14e: {  	p1 =	por !p5, !p6  }
0x14f: {  	s2 =	simm.s32 $0x1;
	p1 =	por !p1, !p1  }
0x150: {  	s1 =	sshrl.u32 s1, $0x7;
	s2 =	simm.s32 @!p1 $0x0  }
0x151: {  	s1 =	ssub.s32 s1, s2  }
0x152: {  	s1 =	sshll.u32 s1, $0x7  }
0x153: {  	s1 =	sand.u32 $0x1FFFFF80, s1  }
0x154: {  	s5 =	simm.s32 $0x1480;
	s1 =	sadd.s32 s0, s1  }
0x155: {  	(v2sf) =	vpush v33, $0x6;
	[tilespmem:s5], [sflag:$0x6] =	stream.linear.gather [hbm4b:s1+s3], $0x400, $0x38;
	[tilespmem:$0x10100] =	vst v63  }
0x156: {  	s7 =	simm.s32 $0x3480;
	s6 =	sadd.s32 $0xF4280, s1  }
0x157: {  	[tilespmem:s7], [sflag:$0x6] =	stream.linear.gather [hbm4b:s6+s3], $0x400, $0x38;
	[tilespmem:$0x10100] =	vst v63  }
0x158: {  	s19 =	simm.s32 $0x5480;
	s10 =	sadd.s32 $0x1E8500, s1  }
0x159: {  	[tilespmem:s19], [sflag:$0x6] =	stream.linear.gather [hbm4b:s10+s3], $0x400, $0x38;
	[tilespmem:$0x10100] =	vst v63  }
0x15a: {  	s6 =	sadd.s32 $0x2DC780, s1;
	s7 =	simm.s32 $0x7480  }
0x15b: {  	[tilespmem:s7], [sflag:$0x6] =	stream.linear.gather [hbm4b:s6+s3], $0x400, $0x38;
	[tilespmem:$0x10100] =	vst v63  }
0x15c: {  	s10 =	sadd.s32 $0x3D0A00, s1;
	s19 =	simm.s32 $0x9480  }
0x15d: {  	[tilespmem:s19], [sflag:$0x6] =	stream.linear.gather [hbm4b:s10+s3], $0x400, $0x38;
	[tilespmem:$0x10100] =	vst v63  }
0x15e: {  	s6 =	sadd.s32 $0x4C4C80, s1;
	s7 =	simm.s32 $0xB480  }
0x15f: {  	[tilespmem:s7], [sflag:$0x6] =	stream.linear.gather [hbm4b:s6+s3], $0x400, $0x38;
	[tilespmem:$0x10100] =	vst v63  }
0x160: {  	s10 =	sadd.s32 $0x5B8F00, s1;
	s19 =	simm.s32 $0xD480  }
0x161: {  	[tilespmem:s19], [sflag:$0x6] =	stream.linear.gather [hbm4b:s10+s3], $0x400, $0x38;
	[tilespmem:$0x10100] =	vst v63  }
0x162: {  	s5 =	simm.s32 $0xF480;
	s1 =	sadd.s32 $0x6AD180, s1  }
0x163: {  	[tilespmem:s5], [sflag:$0x6] =	stream.linear.gather [hbm4b:s1+s3], $0x400, $0x38;
	[tilespmem:$0x10100] =	vst v63  }
0x164: {  	s1 =	spop (v2sf)  }
0x165: {  	s6 =	sshra.s32 s1, $0x1F  }
0x166: {  	s2 =	sshrl.u32 s6, $0x19  }
0x167: {  	s6 =	sadd.s32 s2, s1  }
0x168: {  	s2 =	sand.u32 $0xFFFFFF80, s6  }
0x169: {  	p3 =	slt.s32 s1, $0x1;
	p4 =	sne.s32 s1, s2  }
0x16a: {  	p1 =	por !p3, !p4  }
0x16b: {  	s7 =	simm.s32 $0x1;
	p1 =	por !p1, !p1  }
0x16c: {  	s6 =	sshrl.u32 s6, $0x7;
	s7 =	simm.s32 @!p1 $0x0  }
0x16d: {  	(v2sf) =	vpush v33, $0x7;
	s6 =	ssub.s32 s6, s7  }
0x16e: {  	s6 =	sshll.u32 s6, $0x7  }
0x16f: {  	s6 =	sand.u32 $0x1FFFFF80, s6  }
0x170: {  	s7 =	simm.s32 $0x1880;
	s6 =	sadd.s32 s0, s6  }
0x171: {  	[tilespmem:s7], [sflag:$0x7] =	stream.linear.gather [hbm4b:s6+s3], $0x400, $0x38;
	[tilespmem:$0x10100] =	vst v63  }
0x172: {  	s19 =	simm.s32 $0x3880;
	s10 =	sadd.s32 $0xF4280, s6  }
0x173: {  	[tilespmem:s19], [sflag:$0x7] =	stream.linear.gather [hbm4b:s10+s3], $0x400, $0x38;
	[tilespmem:$0x10100] =	vst v63  }
0x174: {  	s10 =	sadd.s32 $0x1E8500, s6;
	s19 =	simm.s32 $0x5880  }
0x175: {  	[tilespmem:s19], [sflag:$0x7] =	stream.linear.gather [hbm4b:s10+s3], $0x400, $0x38;
	[tilespmem:$0x10100] =	vst v63  }
0x176: {  	s10 =	sadd.s32 $0x2DC780, s6;
	s19 =	simm.s32 $0x7880  }
0x177: {  	[tilespmem:s19], [sflag:$0x7] =	stream.linear.gather [hbm4b:s10+s3], $0x400, $0x38;
	[tilespmem:$0x10100] =	vst v63  }
0x178: {  	s10 =	sadd.s32 $0x3D0A00, s6;
	s19 =	simm.s32 $0x9880  }
0x179: {  	[tilespmem:s19], [sflag:$0x7] =	stream.linear.gather [hbm4b:s10+s3], $0x400, $0x38;
	[tilespmem:$0x10100] =	vst v63  }
0x17a: {  	s10 =	sadd.s32 $0x4C4C80, s6;
	s19 =	simm.s32 $0xB880  }
0x17b: {  	[tilespmem:s19], [sflag:$0x7] =	stream.linear.gather [hbm4b:s10+s3], $0x400, $0x38;
	[tilespmem:$0x10100] =	vst v63  }
0x17c: {  	s5 =	sadd.s32 $0x5B8F00, s6;
	s7 =	spop (v2sf);
	s10 =	simm.s32 $0xD880  }
0x17d: {  	[tilespmem:s10], [sflag:$0x7] =	stream.linear.gather [hbm4b:s5+s3], $0x400, $0x38;
	[tilespmem:$0x10100] =	vst v63  }
0x17e: {  	s6 =	sadd.s32 $0x6AD180, s6;
	s19 =	simm.s32 $0xF880;
	s5 =	sshra.s32 s7, $0x1F  }
0x17f: {  	[tilespmem:s19], [sflag:$0x7] =	stream.linear.gather [hbm4b:s6+s3], $0x400, $0x38;
	[tilespmem:$0x10100] =	vst v63  }
0x180: {  	s6 =	sshrl.u32 s5, $0x19  }
0x181: {  	s10 =	sadd.s32 s6, s7  }
0x182: {  	s6 =	sand.u32 $0xFFFFFF80, s10  }
0x183: {  	p5 =	slt.s32 s7, $0x1;
	p6 =	sne.s32 s7, s6  }
0x184: {  	p1 =	por !p5, !p6  }
0x185: {  	s19 =	simm.s32 $0x1;
	p1 =	por !p1, !p1  }
0x186: {  	s5 =	sshrl.u32 s10, $0x7;
	s19 =	simm.s32 @!p1 $0x0  }
0x187: {  	s5 =	ssub.s32 s5, s19  }
0x188: {  	s5 =	sshll.u32 s5, $0x7  }
0x189: {  	s5 =	sand.u32 $0x1FFFFF80, s5  }
0x18a: {  	s10 =	simm.s32 $0x1C80;
	s5 =	sadd.s32 s0, s5  }
0x18b: {  	[tilespmem:s10], [sflag:$0x8] =	stream.linear.gather [hbm4b:s5+s3], $0x400, $0x38;
	[tilespmem:$0x10100] =	vst v63  }
0x18c: {  	s19 =	sadd.s32 $0xF4280, s5;
	s10 =	simm.s32 $0x3C80  }
0x18d: {  	[tilespmem:s10], [sflag:$0x8] =	stream.linear.gather [hbm4b:s19+s3], $0x400, $0x38;
	[tilespmem:$0x10100] =	vst v63  }
0x18e: {  	s19 =	sadd.s32 $0x1E8500, s5;
	s10 =	simm.s32 $0x5C80  }
0x18f: {  	[tilespmem:s10], [sflag:$0x8] =	stream.linear.gather [hbm4b:s19+s3], $0x400, $0x38;
	[tilespmem:$0x10100] =	vst v63  }
0x190: {  	s19 =	sadd.s32 $0x2DC780, s5;
	s10 =	simm.s32 $0x7C80  }
0x191: {  	[tilespmem:s10], [sflag:$0x8] =	stream.linear.gather [hbm4b:s19+s3], $0x400, $0x38;
	[tilespmem:$0x10100] =	vst v63  }
0x192: {  	s19 =	sadd.s32 $0x3D0A00, s5;
	s10 =	simm.s32 $0x9C80  }
0x193: {  	[tilespmem:s10], [sflag:$0x8] =	stream.linear.gather [hbm4b:s19+s3], $0x400, $0x38;
	[tilespmem:$0x10100] =	vst v63  }
0x194: {  	s19 =	sadd.s32 $0x4C4C80, s5;
	s10 =	simm.s32 $0xBC80  }
0x195: {  	[tilespmem:s10], [sflag:$0x8] =	stream.linear.gather [hbm4b:s19+s3], $0x400, $0x38;
	[tilespmem:$0x10100] =	vst v63  }
0x196: {  	s19 =	sadd.s32 $0x5B8F00, s5;
	s10 =	simm.s32 $0xDC80  }
0x197: {  	[tilespmem:s10], [sflag:$0x8] =	stream.linear.gather [hbm4b:s19+s3], $0x400, $0x38;
	[tilespmem:$0x10100] =	vst v63  }
0x198: {  	s21 =	ssub.s32 s21, s22;
	s19 =	sand.u32 $0x7F, s20  }
0x199: {  	s22 =	simm.s32 $0x1;
	s5 =	sadd.s32 $0x6AD180, s5;
	s20 =	simm.s32 $0xFC80;
	v61 =	vor.u32 s19, v0  }
0x19a: {  	v34 =	vor.u32 s19, v1;
	[tilespmem:s20], [sflag:$0x8] =	stream.linear.gather [hbm4b:s5+s3], $0x400, $0x38;
	[tilespmem:$0x10100] =	vst v63  }
0x19b: {  	v37 =	vmov s21;
	v35 =	vor.u32 s19, v2;
	_ =	swait.ge [sflag:s22], $0x2000  }
0x19c: {  	v37 =	vand.u32 $0x7F, v37;
	v36 =	vor.u32 s19, v3;
	[sflag:s22] =	ssyncset.done $0x0  }
0x19d: {  	v37 =	vbroadcast v37, $0x0;
	[sflag:s22] =	ssyncadd.s32 $0xFFFFE000  }
0x19e: {  	v33 =	vld.idx.msk [tilespmem:v61+s11+$0x0], $0xffff  }
0x19f: {  	v38 =	vor.u32 v4, v37;
	v34 =	vld.idx.msk [tilespmem:v34+s11+$0x0], $0xffff  }
0x1a0: {  	v39 =	vor.u32 v5, v37;
	s24 =	ssub.s32 s23, s24;
	v35 =	vld.idx.msk [tilespmem:v35+s11+$0x0], $0xffff  }
0x1a1: {  	v40 =	vor.u32 v6, v37;
	v41 =	vmov s24;
	v36 =	vld.idx.msk [tilespmem:v36+s11+$0x0], $0xffff;
	_ =	swait.ge [sflag:s12], $0x2000  }
0x1a2: {  	v37 =	vor.u32 v7, v37;
	v41 =	vand.u32 $0x7F, v41;
	[sflag:s12] =	ssyncset.done $0x0  }
0x1a3: {  	v41 =	vbroadcast v41, $0x0;
	[sflag:s12] =	ssyncadd.s32 $0xFFFFE000  }
0x1a4: {  	v38 =	vld.idx.msk [tilespmem:v38+s11+$0x0], $0xffff  }
0x1a5: {  	v42 =	vor.u32 v8, v41;
	v39 =	vld.idx.msk [tilespmem:v39+s11+$0x0], $0xffff  }
0x1a6: {  	v43 =	vor.u32 v9, v41;
	s26 =	ssub.s32 s25, s26;
	v40 =	vld.idx.msk [tilespmem:v40+s11+$0x0], $0xffff  }
0x1a7: {  	v44 =	vor.u32 v10, v41;
	v45 =	vmov s26;
	v37 =	vld.idx.msk [tilespmem:v37+s11+$0x0], $0xffff;
	_ =	swait.ge [sflag:s13], $0x2000  }
0x1a8: {  	v41 =	vor.u32 v11, v41;
	v45 =	vand.u32 $0x7F, v45;
	[sflag:s13] =	ssyncset.done $0x0  }
0x1a9: {  	v45 =	vbroadcast v45, $0x0;
	[sflag:s13] =	ssyncadd.s32 $0xFFFFE000  }
0x1aa: {  	v42 =	vld.idx.msk [tilespmem:v42+s11+$0x0], $0xffff  }
0x1ab: {  	v46 =	vor.u32 v12, v45;
	v43 =	vld.idx.msk [tilespmem:v43+s11+$0x0], $0xffff  }
0x1ac: {  	v47 =	vor.u32 v13, v45;
	s29 =	ssub.s32 s28, s29;
	v44 =	vld.idx.msk [tilespmem:v44+s11+$0x0], $0xffff  }
0x1ad: {  	v48 =	vor.u32 v14, v45;
	v49 =	vmov s29;
	v41 =	vld.idx.msk [tilespmem:v41+s11+$0x0], $0xffff;
	_ =	swait.ge [sflag:s14], $0x2000  }
0x1ae: {  	v45 =	vor.u32 v15, v45;
	v49 =	vand.u32 $0x7F, v49;
	[sflag:s14] =	ssyncset.done $0x0  }
0x1af: {  	v49 =	vbroadcast v49, $0x0;
	[sflag:s14] =	ssyncadd.s32 $0xFFFFE000  }
0x1b0: {  	v46 =	vld.idx.msk [tilespmem:v46+s11+$0x0], $0xffff  }
0x1b1: {  	v50 =	vor.u32 v16, v49;
	v47 =	vld.idx.msk [tilespmem:v47+s11+$0x0], $0xffff  }
0x1b2: {  	v51 =	vor.u32 v17, v49;
	s30 =	ssub.s32 s30, s31;
	v48 =	vld.idx.msk [tilespmem:v48+s11+$0x0], $0xffff  }
0x1b3: {  	v52 =	vor.u32 v18, v49;
	v53 =	vmov s30;
	v45 =	vld.idx.msk [tilespmem:v45+s11+$0x0], $0xffff;
	_ =	swait.ge [sflag:s15], $0x2000  }
0x1b4: {  	v49 =	vor.u32 v19, v49;
	v53 =	vand.u32 $0x7F, v53;
	[sflag:s15] =	ssyncset.done $0x0  }
0x1b5: {  	v53 =	vbroadcast v53, $0x0;
	[sflag:s15] =	ssyncadd.s32 $0xFFFFE000  }
0x1b6: {  	v50 =	vld.idx.msk [tilespmem:v50+s11+$0x0], $0xffff  }
0x1b7: {  	v54 =	vor.u32 v20, v53;
	v51 =	vld.idx.msk [tilespmem:v51+s11+$0x0], $0xffff  }
0x1b8: {  	v55 =	vor.u32 v21, v53;
	s1 =	ssub.s32 s1, s2;
	v52 =	vld.idx.msk [tilespmem:v52+s11+$0x0], $0xffff  }
0x1b9: {  	v56 =	vor.u32 v22, v53;
	v57 =	vmov s1;
	v49 =	vld.idx.msk [tilespmem:v49+s11+$0x0], $0xffff;
	_ =	swait.ge [sflag:s16], $0x2000  }
0x1ba: {  	v53 =	vor.u32 v23, v53;
	v57 =	vand.u32 $0x7F, v57;
	[sflag:s16] =	ssyncset.done $0x0  }
0x1bb: {  	v57 =	vbroadcast v57, $0x0;
	[sflag:s16] =	ssyncadd.s32 $0xFFFFE000  }
0x1bc: {  	v54 =	vld.idx.msk [tilespmem:v54+s11+$0x0], $0xffff  }
0x1bd: {  	v58 =	vor.u32 v24, v57;
	v55 =	vld.idx.msk [tilespmem:v55+s11+$0x0], $0xffff  }
0x1be: {  	v59 =	vor.u32 v25, v57;
	s31 =	ssub.s32 s7, s6;
	v56 =	vld.idx.msk [tilespmem:v56+s11+$0x0], $0xffff  }
0x1bf: {  	v60 =	vor.u32 v26, v57;
	v61 =	vmov s31;
	v33 =	vadd.f32 $0.0e+00, v33;
	v53 =	vld.idx.msk [tilespmem:v53+s11+$0x0], $0xffff;
	_ =	swait.ge [sflag:s17], $0x2000  }
0x1c0: {  	v57 =	vor.u32 v27, v57;
	v61 =	vand.u32 $0x7F, v61;
	v36 =	vadd.f32 $0.0e+00, v36;
	[sflag:s17] =	ssyncset.done $0x0  }
0x1c1: {  	v62 =	vbroadcast v61, $0x0;
	v34 =	vadd.f32 $0.0e+00, v34;
	v33 =	vadd.f32 v38, v33;
	[sflag:s17] =	ssyncadd.s32 $0xFFFFE000  }
0x1c2: {  	v35 =	vadd.f32 $0.0e+00, v35;
	v36 =	vadd.f32 v37, v36;
	v38 =	vld.idx.msk [tilespmem:v58+s11+$0x0], $0xffff  }
0x1c3: {  	v63 =	vor.u32 v28, v62;
	v34 =	vadd.f32 v39, v34;
	v33 =	vadd.f32 v42, v33;
	v39 =	vld.idx.msk [tilespmem:v59+s11+$0x0], $0xffff  }
0x1c4: {  	v61 =	vor.u32 v31, v62;
	v35 =	vadd.f32 v40, v35;
	v36 =	vadd.f32 v41, v36;
	v40 =	vld.idx.msk [tilespmem:v60+s11+$0x0], $0xffff  }
0x1c5: {  	v34 =	vadd.f32 v43, v34;
	v33 =	vadd.f32 v46, v33;
	v57 =	vld.idx.msk [tilespmem:v57+s11+$0x0], $0xffff;
	v59 =	vor.u32 v29, v62;
	_ =	swait.ge [sflag:s18], $0x2000  }
0x1c6: {  	v35 =	vadd.f32 v44, v35;
	v36 =	vadd.f32 v45, v36;
	v60 =	vor.u32 v30, v62;
	[sflag:s18] =	ssyncset.done $0x0  }
0x1c7: {  	v34 =	vadd.f32 v47, v34;
	v33 =	vadd.f32 v50, v33;
	[sflag:s18] =	ssyncadd.s32 $0xFFFFE000  }
0x1c8: {  	v35 =	vadd.f32 v48, v35;
	v36 =	vadd.f32 v49, v36;
	v42 =	vld.idx.msk [tilespmem:v63+s11+$0x0], $0xffff  }
0x1c9: {  	v34 =	vadd.f32 v51, v34;
	v33 =	vadd.f32 v54, v33;
	v62 =	vld.idx.msk [tilespmem:v61+s11+$0x0], $0xffff  }
0x1ca: {  	v35 =	vadd.f32 v52, v35;
	v36 =	vadd.f32 v53, v36;
	v43 =	vld.idx.msk [tilespmem:v59+s11+$0x0], $0xffff  }
0x1cb: {  	v34 =	vadd.f32 v55, v34;
	v44 =	vld.idx.msk [tilespmem:v60+s11+$0x0], $0xffff;
	v33 =	vadd.f32 v38, v33  }
0x1cc: {  	v35 =	vadd.f32 v56, v35;
	v36 =	vadd.f32 v57, v36  }
0x1cd: {  	v34 =	vadd.f32 v39, v34;
	v33 =	vadd.f32 v42, v33  }
.Ltmp3:
0x1ce: {  	v35 =	vadd.f32 v40, v35;
	v63 =	vadd.f32 v62, v36;
	(pc) =	sbr.rel .LBB2_4-.Ltmp3, $4  }
0x1cf: {  	v34 =	vadd.f32 v43, v34;
	[tilespmem:$0x10080] =	vst v33  }
0x1d0: {  	v35 =	vadd.f32 v44, v35;
	[tilespmem:$0x100B0] =	vst v63  }
0x1d1: {  	[tilespmem:$0x10090] =	vst v34  }
0x1d2: {  	s2 =	simm.s32 $0x10080;
	s1 =	rddreg [dreg:$0x4];
	[tilespmem:$0x100A0] =	vst v35  }
.LBB2_5:
0x1d3: {  	_ =	sfence.sel $0x180000  }
0x1d4: {  	[bflag:$0x0] =	sbarrier.arrive $0xFFFF  }
0x1d5: {  	_ =	strace $0x90000047  }
0x1d6: {  	s0 =	stileid.u32;
	[bflag:$0x2] =	sbarrier.arrive $0xFFFF  }
0x1d7: {  	p0 =	sne.s32 s0, $0x0;
	s0 =	rddreg [dreg:$0x3]  }
0x1d8: {  	s0 =	sadd.s32 @!p0 $0x100000, s0  }
0x1d9: {  	[sflag:s0] =	ssyncadd.tile.s32 @!p0 $0x1;
	_ =	shalt  }
.Lfunc_end2:
_tile_overlayer_lowered:
.L_overlay_start_2:
0x1da: {  	(tag) =	ssettag $0x2  }
0x1db: {  	s0 =	rddreg [dreg:$0x0];
	s2 =	stileid.u32  }
0x1dc: {  	s1 =	rddreg [dreg:$0x1];
	p0 =	sne.s32 s2, $0x0  }
0x1dd: {  	s3 =	rddreg [dreg:$0x2];
	[bflag:$0x3] =	sbarrier.arrive $0xFFFF;
	s2 =	simm.s32 @!p0 $0x1C09  }
0x1de: {  	[timem:s3], [sflag:s2] =	dma.local @!p0 [hbm:s0], s1  }
0x1df: {  	s0 =	simm.s32 @!p0 $0x9  }
0x1e0: {  	_ =	swait.ge @!p0 [sflag:s0], s1  }
0x1e1: {  	s1 =	ssub.s32 @!p0 $0x0, s1;
	[sflag:s0] =	ssyncset.done @!p0 $0x0  }
0x1e2: {  	[sflag:s0] =	ssyncadd.s32 @!p0 s1  }
0x1e3: {  	[bflag:$0x3] =	sbarrier.arrive $0xFFFF  }
0x1e4: {  	_ =	shalt  }

</sc_bundles>
